<compile_context>
chip_gen: v7x
topology: tpu7x:2x2x1
jax: 0.10.2.dev20260603
libtpu: 0.0.44.dev20260713+nightly
codegen_flags: <defaults>
</compile_context>

<pallas_src>
import functools

import numpy as np
import jax
import jax.numpy as jnp
from jax import lax
from jax.experimental import pallas as pl
from jax.experimental.pallas import tpu as pltpu
from jax.experimental.pallas import tpu_sc as plsc

N_CAT = 8
VOCAB = 100000
EMB = 32
B = 1024
L = 200
D_MODEL = N_CAT * EMB
LANES = 16

NC, NS = 2, 16
NW = NC * NS
BPW = B // NW
ROWS = N_CAT * L
NQ = 4
QROWS = ROWS // NQ
CHUNK = 80
N_CHUNKS = QROWS // CHUNK


def _pe_rows() -> np.ndarray:
    position = np.arange(L, dtype=np.float32)[:, None]
    div_term = np.exp(
        np.arange(0, D_MODEL, 2, dtype=np.float32) * (-np.log(10000.0) / D_MODEL)
    )
    pe = np.zeros((L, D_MODEL), dtype=np.float32)
    pe[:, 0::2] = np.sin(position * div_term)
    pe[:, 1::2] = np.cos(position * div_term)
    return pe.reshape(ROWS, EMB)


_PE_ROWS = _pe_rows()

_mesh = plsc.VectorSubcoreMesh(core_axis_name="c", subcore_axis_name="s")


@functools.partial(
    pl.kernel,
    out_type=jax.ShapeDtypeStruct((B * ROWS, EMB), jnp.float32),
    mesh=_mesh,
    scratch_types=[
        pltpu.VMEM((ROWS, EMB), jnp.float32),
        pltpu.VMEM((ROWS,), jnp.int32),
        pltpu.VMEM((ROWS,), jnp.int32),
        [pltpu.VMEM((QROWS, EMB), jnp.float32) for _ in range(NQ)],
        [pltpu.SemaphoreType.DMA for _ in range(NQ)],
        [pltpu.SemaphoreType.DMA for _ in range(NQ)],
    ],
    compiler_params=pltpu.CompilerParams(
        needs_layout_passes=False, use_tc_tiling_on_sc=False
    ),
)
def _emb_lookup(table_hbm, idx_hbm, pe_hbm, out_hbm, pe_v, raw_v, rowid_v, bufs, gsems, wsems):
    wid = lax.axis_index("s") * NC + lax.axis_index("c")
    pltpu.sync_copy(pe_hbm, pe_v)
    iota = lax.broadcasted_iota(jnp.int32, (LANES,), 0)

    def per_batch(bi, _):
        b = wid * BPW + bi
        pltpu.sync_copy(idx_hbm.at[b], raw_v)

        @plsc.parallel_loop(0, ROWS // LANES, unroll=4)
        def _rowid_step(j):
            t = j * LANES + iota
            l = lax.shift_right_logical(t, 3)
            c = lax.bitwise_and(t, 7)
            v = plsc.load_gather(raw_v, [c * L + l])
            rowid_v[pl.ds(j * LANES, LANES)] = v + c * VOCAB

        for q in range(NQ):
            @pl.when(bi > 0)
            def _drain(q=q):
                row0 = ((b - 1) * NQ + q) * QROWS
                pltpu.make_async_copy(
                    bufs[q], out_hbm.at[pl.ds(row0, QROWS)], wsems[q]
                ).wait()

            for k in range(N_CHUNKS):
                pltpu.async_copy(
                    table_hbm.at[rowid_v.at[pl.ds(q * QROWS + k * CHUNK, CHUNK)]],
                    bufs[q].at[pl.ds(k * CHUNK, CHUNK)],
                    gsems[q],
                )

        for q in range(NQ):
            for k in range(N_CHUNKS):
                pltpu.make_async_copy(
                    table_hbm.at[rowid_v.at[pl.ds(q * QROWS + k * CHUNK, CHUNK)]],
                    bufs[q].at[pl.ds(k * CHUNK, CHUNK)],
                    gsems[q],
                ).wait()

            @plsc.parallel_loop(0, QROWS, unroll=4)
            def _add_pe(r, q=q):
                plsc.addupdate(
                    bufs[q].at[r, pl.ds(0, LANES)],
                    pe_v[q * QROWS + r, pl.ds(0, LANES)],
                )
                plsc.addupdate(
                    bufs[q].at[r, pl.ds(LANES, LANES)],
                    pe_v[q * QROWS + r, pl.ds(LANES, LANES)],
                )

            row0 = (b * NQ + q) * QROWS
            pltpu.async_copy(bufs[q], out_hbm.at[pl.ds(row0, QROWS)], wsems[q])
        return 0

    lax.fori_loop(0, BPW, per_batch, 0)

    b_last = wid * BPW + BPW - 1
    for q in range(NQ):
        row0 = (b_last * NQ + q) * QROWS
        pltpu.make_async_copy(
            bufs[q], out_hbm.at[pl.ds(row0, QROWS)], wsems[q]
        ).wait()


def kernel(tables, categorical_attrs):
    table = tables.reshape(N_CAT * VOCAB, EMB)
    idx = categorical_attrs.astype(jnp.int32).reshape(B, N_CAT * L)
    pe = jnp.asarray(_PE_ROWS)
    out = _emb_lookup(table, idx, pe)
    return out.reshape(B, L, D_MODEL)

# --- scband reference (transcript-rebuilt; emitter-appended) ---
"""Pipeline reference for scband-trace-to-embedding-80324478369812 (READ-ONLY COPY).

The authoritative reference and input builder live on the scoring server;
editing this copy changes nothing except your own understanding.
"""

import jax, jax.numpy as jnp
import numpy as np

N_CAT = 8
VOCAB = 100000
EMB = 32
B = 1024
L = 200
D_MODEL = N_CAT * EMB  # 256, no projection (emb_output_size=None), no feature attention
PAD_IDX = 0


def _positional_encoding(max_len, d_model):
    # Standard sinusoidal positional encoding (Vaswani et al.), additive.
    position = np.arange(max_len, dtype=np.float32)[:, None]
    div_term = np.exp(np.arange(0, d_model, 2, dtype=np.float32) * (-np.log(10000.0) / d_model))
    pe = np.zeros((max_len, d_model), dtype=np.float32)
    pe[:, 0::2] = np.sin(position * div_term)
    pe[:, 1::2] = np.cos(position * div_term)
    return jnp.asarray(pe)

_PE = _positional_encoding(L, D_MODEL)


def setup_inputs(seed: int = 0) -> dict:
    key = jax.random.key(seed)
    k_idx, k_tab = jax.random.split(key)
    categorical_attrs = jax.random.randint(k_idx, (B, N_CAT, L), 0, VOCAB)
    # 8 embedding tables, stacked: [N_CAT, VOCAB, EMB]; padding_idx row zero-initialized
    tables = jax.random.normal(k_tab, (N_CAT, VOCAB, EMB), dtype=jnp.float32) * 0.02
    tables = tables.at[:, PAD_IDX, :].set(0.0)
    return {"tables": tables, "categorical_attrs": categorical_attrs}


def reference(tables, categorical_attrs):
    # Per-attribute embedding lookup (gather), then concat along feature dim
    embedded_attrs = []
    for attr_index in range(N_CAT):
        emb = jnp.take(tables[attr_index], categorical_attrs[:, attr_index, :], axis=0)  # [B, L, EMB]
        embedded_attrs.append(emb)
    combined = jnp.concatenate(embedded_attrs, axis=-1)  # [B, L, D_MODEL]
    # feature_attn_heads=0 -> identity; project=False -> identity
    out = combined + _PE[None, :combined.shape[1], :]
    return out

if __name__ == "__main__":
    import jax
    _d = setup_inputs()
    print(jax.jit(kernel)(*tuple(_d.values())))

</pallas_src>

<mosaic_0001>
#map = affine_map<(d0, d1) -> (0, 0)>
module attributes {stable_mosaic.version = 14 : i64} {
  func.func @_emb_lookup(%arg0: i32, %arg1: i32, %arg2: memref<800000x32xf32, #tpu.memory_space<hbm>>, %arg3: memref<1024x1600xi32, #tpu.memory_space<hbm>>, %arg4: memref<1600x32xf32, #tpu.memory_space<hbm>>, %arg5: memref<1638400x32xf32, #tpu.memory_space<hbm>>, %arg6: memref<1600x32xf32, #tpu.memory_space<vmem>>, %arg7: memref<1600xi32, #tpu.memory_space<vmem>>, %arg8: memref<1600xi32, #tpu.memory_space<vmem>>, %arg9: memref<400x32xf32, #tpu.memory_space<vmem>>, %arg10: memref<400x32xf32, #tpu.memory_space<vmem>>, %arg11: memref<400x32xf32, #tpu.memory_space<vmem>>, %arg12: memref<400x32xf32, #tpu.memory_space<vmem>>, %arg13: memref<!tpu.dma_semaphore, #tpu.memory_space<semaphore_mem>>, %arg14: memref<!tpu.dma_semaphore, #tpu.memory_space<semaphore_mem>>, %arg15: memref<!tpu.dma_semaphore, #tpu.memory_space<semaphore_mem>>, %arg16: memref<!tpu.dma_semaphore, #tpu.memory_space<semaphore_mem>>, %arg17: memref<!tpu.dma_semaphore, #tpu.memory_space<semaphore_mem>>, %arg18: memref<!tpu.dma_semaphore, #tpu.memory_space<semaphore_mem>>, %arg19: memref<!tpu.dma_semaphore, #tpu.memory_space<semaphore_mem>>, %arg20: memref<!tpu.dma_semaphore, #tpu.memory_space<semaphore_mem>>) attributes {dimension_semantics = [#tpu.dimension_semantics<core_parallel>, #tpu.dimension_semantics<subcore_parallel>], iteration_bounds = array<i64: 2, 16>, scalar_prefetch = 0 : i64, scratch_operands = 15 : i64, tpu.core_type = #tpu.core_type<sc_vector_subcore>, window_params = [{transform_indices = #map}, {transform_indices = #map}, {transform_indices = #map}, {transform_indices = #map}]} {
    %mul3A = arith.constant 2 : i32
    %mul3A_0 = arith.muli %arg1, %mul3A : i32
    %add3A = arith.addi %mul3A_0, %arg0 : i32
    "tpu.region"() ({
      %run_scoped3A = tpu.sem_alloc : memref<!tpu.dma_semaphore, #tpu.memory_space<semaphore_mem>>
      tpu.enqueue_dma source(%arg4 : memref<1600x32xf32, #tpu.memory_space<hbm>>) target(%arg6 : memref<1600x32xf32, #tpu.memory_space<vmem>>) target_semaphore(%run_scoped3A : memref<!tpu.dma_semaphore, #tpu.memory_space<semaphore_mem>>)
      tpu.wait_dma2 semaphore(%run_scoped3A : memref<!tpu.dma_semaphore, #tpu.memory_space<semaphore_mem>>) src(%arg4 : memref<1600x32xf32, #tpu.memory_space<hbm>>) dst(%arg6 : memref<1600x32xf32, #tpu.memory_space<vmem>>)
      tpu.yield
    }) : () -> ()
    %iota3A = tpu.iota {dimensions = array<i32: 0>} : vector<16xi32>
    %scan3A = arith.constant 0 : i32
    %scan3A_1 = arith.constant 0 : i32
    %scan3A_2 = arith.constant 32 : i32
    %scan3A_3 = arith.addi %scan3A_1, %scan3A_2 : i32
    %scan3A_4 = arith.constant 1 : i32
    %scan3A_5 = scf.for %scan3A_51 = %scan3A_1 to %scan3A_3 step %scan3A_4 iter_args(%scan3A_52 = %scan3A) -> (i32)  : i32 {
      %mul3A_53 = arith.constant 32 : i32
      %mul3A_54 = arith.muli %add3A, %mul3A_53 : i32
      %add3A_55 = arith.addi %mul3A_54, %scan3A_51 : i32
      "tpu.region"() ({
        %run_scoped3A = tpu.sem_alloc : memref<!tpu.dma_semaphore, #tpu.memory_space<semaphore_mem>>
        %dma_start3A_447 = arith.constant 0 : i32
        %dma_start3A_448 = tpu.memref_slice %arg3[%add3A_55, %dma_start3A_447] : memref<1024x1600xi32, #tpu.memory_space<hbm>> -> memref<1x1600xi32, #tpu.memory_space<hbm>>
        %dma_start3A_449 = tpu.memref_squeeze %dma_start3A_448 : memref<1x1600xi32, #tpu.memory_space<hbm>> -> memref<1600xi32, #tpu.memory_space<hbm>>
        %dma_start3A_450 = arith.constant 0 : i32
        %dma_start3A_451 = tpu.memref_slice %arg3[%add3A_55, %dma_start3A_450] : memref<1024x1600xi32, #tpu.memory_space<hbm>> -> memref<1x1600xi32, #tpu.memory_space<hbm>>
        %dma_start3A_452 = tpu.memref_squeeze %dma_start3A_451 : memref<1x1600xi32, #tpu.memory_space<hbm>> -> memref<1600xi32, #tpu.memory_space<hbm>>
        tpu.enqueue_dma source(%dma_start3A_452 : memref<1600xi32, #tpu.memory_space<hbm>>) target(%arg7 : memref<1600xi32, #tpu.memory_space<vmem>>) target_semaphore(%run_scoped3A : memref<!tpu.dma_semaphore, #tpu.memory_space<semaphore_mem>>)
        %dma_wait3A_453 = arith.constant 0 : i32
        %dma_wait3A_454 = tpu.memref_slice %arg3[%add3A_55, %dma_wait3A_453] : memref<1024x1600xi32, #tpu.memory_space<hbm>> -> memref<1x1600xi32, #tpu.memory_space<hbm>>
        %dma_wait3A_455 = tpu.memref_squeeze %dma_wait3A_454 : memref<1x1600xi32, #tpu.memory_space<hbm>> -> memref<1600xi32, #tpu.memory_space<hbm>>
        %dma_wait3A_456 = arith.constant 0 : i32
        %dma_wait3A_457 = tpu.memref_slice %arg3[%add3A_55, %dma_wait3A_456] : memref<1024x1600xi32, #tpu.memory_space<hbm>> -> memref<1x1600xi32, #tpu.memory_space<hbm>>
        %dma_wait3A_458 = tpu.memref_squeeze %dma_wait3A_457 : memref<1x1600xi32, #tpu.memory_space<hbm>> -> memref<1600xi32, #tpu.memory_space<hbm>>
        tpu.wait_dma2 semaphore(%run_scoped3A : memref<!tpu.dma_semaphore, #tpu.memory_space<semaphore_mem>>) src(%dma_wait3A_458 : memref<1600xi32, #tpu.memory_space<hbm>>) dst(%arg7 : memref<1600xi32, #tpu.memory_space<vmem>>)
        tpu.yield
      }) : () -> ()
      %parallel_loop3A = arith.constant 0 : i32
      %parallel_loop3A_56 = arith.constant 100 : i32
      %parallel_loop3A_57 = arith.constant 1 : i32
      scf.for %parallel_loop3A_447 = %parallel_loop3A to %parallel_loop3A_56 step %parallel_loop3A_57  : i32 {
        %parallel_loop3A_448 = arith.constant 16 : i32
        %parallel_loop3A_449 = arith.muli %parallel_loop3A_447, %parallel_loop3A_448 : i32
        %parallel_loop3A_450 = vector.broadcast %parallel_loop3A_449 : i32 to vector<16xi32>
        %parallel_loop3A_451 = arith.addi %parallel_loop3A_450, %iota3A : vector<16xi32>
        %parallel_loop3A_452 = arith.constant 3 : i32
        %parallel_loop3A_453 = vector.broadcast %parallel_loop3A_452 : i32 to vector<16xi32>
        %parallel_loop3A_454 = arith.shrui %parallel_loop3A_451, %parallel_loop3A_453 : vector<16xi32>
        %parallel_loop3A_455 = arith.constant 7 : i32
        %parallel_loop3A_456 = vector.broadcast %parallel_loop3A_455 : i32 to vector<16xi32>
        %parallel_loop3A_457 = arith.andi %parallel_loop3A_451, %parallel_loop3A_456 : vector<16xi32>
        %parallel_loop3A_458 = arith.constant 200 : i32
        %parallel_loop3A_459 = vector.broadcast %parallel_loop3A_458 : i32 to vector<16xi32>
        %parallel_loop3A_460 = arith.muli %parallel_loop3A_457, %parallel_loop3A_459 : vector<16xi32>
        %parallel_loop3A_461 = arith.addi %parallel_loop3A_460, %parallel_loop3A_454 : vector<16xi32>
        %parallel_loop3A_462 = tpu.vector_load_idx %arg7[%parallel_loop3A_461] : memref<1600xi32, #tpu.memory_space<vmem>>[vector<16xi32>], vector<16xi32>,
        %parallel_loop3A_463 = arith.constant 100000 : i32
        %parallel_loop3A_464 = vector.broadcast %parallel_loop3A_463 : i32 to vector<16xi32>
        %parallel_loop3A_465 = arith.muli %parallel_loop3A_457, %parallel_loop3A_464 : vector<16xi32>
        %parallel_loop3A_466 = arith.addi %parallel_loop3A_462, %parallel_loop3A_465 : vector<16xi32>
        %parallel_loop3A_467 = arith.constant 16 : i32
        %parallel_loop3A_468 = arith.muli %parallel_loop3A_447, %parallel_loop3A_467 : i32
        %parallel_loop3A_469 = arith.index_cast %parallel_loop3A_468 : i32 to index
        %parallel_loop3A_470 = tpu.vector_load %arg8[%parallel_loop3A_469] {strides = array<i32>} : memref<1600xi32, #tpu.memory_space<vmem>>, vector<16xi32>,
        tpu.vector_store %arg8[%parallel_loop3A_469], %parallel_loop3A_466 {strides = array<i32>} : memref<1600xi32, #tpu.memory_space<vmem>>, vector<16xi32>,
      } {sc.loop_unroll_factor = 4 : i64, sc.parallel_access}
      %gt3A = arith.constant 0 : i32
      %gt3A_58 = arith.cmpi sgt, %scan3A_51, %gt3A : i32
      %convert_element_type3A = arith.extui %gt3A_58 : i1 to i32
      %cond3A = arith.constant 0 : i32
      %cond3A_59 = arith.cmpi ne, %convert_element_type3A, %cond3A : i32
      scf.if %cond3A_59 {
        %sub3A_447 = arith.constant 1 : i32
        %sub3A_448 = arith.subi %add3A_55, %sub3A_447 : i32
        %mul3A_449 = arith.constant 4 : i32
        %mul3A_450 = arith.muli %sub3A_448, %mul3A_449 : i32
        %add3A_451 = arith.constant 0 : i32
        %add3A_452 = arith.addi %mul3A_450, %add3A_451 : i32
        %mul3A_453 = arith.constant 400 : i32
        %mul3A_454 = arith.muli %add3A_452, %mul3A_453 : i32
        %dma_wait3A_455 = arith.constant 0 : i32
        %dma_wait3A_456 = tpu.memref_slice %arg5[%mul3A_454, %dma_wait3A_455] : memref<1638400x32xf32, #tpu.memory_space<hbm>> -> memref<400x32xf32, #tpu.memory_space<hbm>>
        %dma_wait3A_457 = arith.constant 0 : i32
        %dma_wait3A_458 = tpu.memref_slice %arg5[%mul3A_454, %dma_wait3A_457] : memref<1638400x32xf32, #tpu.memory_space<hbm>> -> memref<400x32xf32, #tpu.memory_space<hbm>>
        tpu.wait_dma2 semaphore(%arg17 : memref<!tpu.dma_semaphore, #tpu.memory_space<semaphore_mem>>) src(%arg9 : memref<400x32xf32, #tpu.memory_space<vmem>>) dst(%dma_wait3A_458 : memref<400x32xf32, #tpu.memory_space<hbm>>)
      } else {
      }
      %dma_start3A = arith.constant 0 : i32
      %dma_start3A_60 = arith.constant 0 : i32
      %dma_start3A_61 = tpu.memref_slice %arg9[%dma_start3A, %dma_start3A_60] : memref<400x32xf32, #tpu.memory_space<vmem>> -> memref<80x32xf32, #tpu.memory_space<vmem>>
      %dma_start3A_62 = arith.constant 0 : i32
      %dma_start3A_63 = tpu.memref_slice %arg8[%dma_start3A_62] : memref<1600xi32, #tpu.memory_space<vmem>> -> memref<80xi32, #tpu.memory_space<vmem>>
      %dma_start3A_64 = arith.constant 0 : i32
      %dma_start3A_65 = arith.constant 0 : i32
      %dma_start3A_66 = tpu.memref_slice %arg2[%dma_start3A_64, %dma_start3A_65] : memref<800000x32xf32, #tpu.memory_space<hbm>> -> memref<800000x32xf32, #tpu.memory_space<hbm>>
      tpu.enqueue_indirect_dma source(%dma_start3A_66 : memref<800000x32xf32, #tpu.memory_space<hbm>>) target(%dma_start3A_61 : memref<80x32xf32, #tpu.memory_space<vmem>>) offsets(%dma_start3A_63 : memref<80xi32, #tpu.memory_space<vmem>>) semaphore(%arg13 : memref<!tpu.dma_semaphore, #tpu.memory_space<semaphore_mem>>)
      %dma_start3A_67 = arith.constant 80 : i32
      %dma_start3A_68 = arith.constant 0 : i32
      %dma_start3A_69 = tpu.memref_slice %arg9[%dma_start3A_67, %dma_start3A_68] : memref<400x32xf32, #tpu.memory_space<vmem>> -> memref<80x32xf32, #tpu.memory_space<vmem>>
      %dma_start3A_70 = arith.constant 80 : i32
      %dma_start3A_71 = tpu.memref_slice %arg8[%dma_start3A_70] : memref<1600xi32, #tpu.memory_space<vmem>> -> memref<80xi32, #tpu.memory_space<vmem>>
      %dma_start3A_72 = arith.constant 0 : i32
      %dma_start3A_73 = arith.constant 0 : i32
      %dma_start3A_74 = tpu.memref_slice %arg2[%dma_start3A_72, %dma_start3A_73] : memref<800000x32xf32, #tpu.memory_space<hbm>> -> memref<800000x32xf32, #tpu.memory_space<hbm>>
      tpu.enqueue_indirect_dma source(%dma_start3A_74 : memref<800000x32xf32, #tpu.memory_space<hbm>>) target(%dma_start3A_69 : memref<80x32xf32, #tpu.memory_space<vmem>>) offsets(%dma_start3A_71 : memref<80xi32, #tpu.memory_space<vmem>>) semaphore(%arg13 : memref<!tpu.dma_semaphore, #tpu.memory_space<semaphore_mem>>)
      %dma_start3A_75 = arith.constant 160 : i32
      %dma_start3A_76 = arith.constant 0 : i32
      %dma_start3A_77 = tpu.memref_slice %arg9[%dma_start3A_75, %dma_start3A_76] : memref<400x32xf32, #tpu.memory_space<vmem>> -> memref<80x32xf32, #tpu.memory_space<vmem>>
      %dma_start3A_78 = arith.constant 160 : i32
      %dma_start3A_79 = tpu.memref_slice %arg8[%dma_start3A_78] : memref<1600xi32, #tpu.memory_space<vmem>> -> memref<80xi32, #tpu.memory_space<vmem>>
      %dma_start3A_80 = arith.constant 0 : i32
      %dma_start3A_81 = arith.constant 0 : i32
      %dma_start3A_82 = tpu.memref_slice %arg2[%dma_start3A_80, %dma_start3A_81] : memref<800000x32xf32, #tpu.memory_space<hbm>> -> memref<800000x32xf32, #tpu.memory_space<hbm>>
      tpu.enqueue_indirect_dma source(%dma_start3A_82 : memref<800000x32xf32, #tpu.memory_space<hbm>>) target(%dma_start3A_77 : memref<80x32xf32, #tpu.memory_space<vmem>>) offsets(%dma_start3A_79 : memref<80xi32, #tpu.memory_space<vmem>>) semaphore(%arg13 : memref<!tpu.dma_semaphore, #tpu.memory_space<semaphore_mem>>)
      %dma_start3A_83 = arith.constant 240 : i32
      %dma_start3A_84 = arith.constant 0 : i32
      %dma_start3A_85 = tpu.memref_slice %arg9[%dma_start3A_83, %dma_start3A_84] : memref<400x32xf32, #tpu.memory_space<vmem>> -> memref<80x32xf32, #tpu.memory_space<vmem>>
      %dma_start3A_86 = arith.constant 240 : i32
      %dma_start3A_87 = tpu.memref_slice %arg8[%dma_start3A_86] : memref<1600xi32, #tpu.memory_space<vmem>> -> memref<80xi32, #tpu.memory_space<vmem>>
      %dma_start3A_88 = arith.constant 0 : i32
      %dma_start3A_89 = arith.constant 0 : i32
      %dma_start3A_90 = tpu.memref_slice %arg2[%dma_start3A_88, %dma_start3A_89] : memref<800000x32xf32, #tpu.memory_space<hbm>> -> memref<800000x32xf32, #tpu.memory_space<hbm>>
      tpu.enqueue_indirect_dma source(%dma_start3A_90 : memref<800000x32xf32, #tpu.memory_space<hbm>>) target(%dma_start3A_85 : memref<80x32xf32, #tpu.memory_space<vmem>>) offsets(%dma_start3A_87 : memref<80xi32, #tpu.memory_space<vmem>>) semaphore(%arg13 : memref<!tpu.dma_semaphore, #tpu.memory_space<semaphore_mem>>)
      %dma_start3A_91 = arith.constant 320 : i32
      %dma_start3A_92 = arith.constant 0 : i32
      %dma_start3A_93 = tpu.memref_slice %arg9[%dma_start3A_91, %dma_start3A_92] : memref<400x32xf32, #tpu.memory_space<vmem>> -> memref<80x32xf32, #tpu.memory_space<vmem>>
      %dma_start3A_94 = arith.constant 320 : i32
      %dma_start3A_95 = tpu.memref_slice %arg8[%dma_start3A_94] : memref<1600xi32, #tpu.memory_space<vmem>> -> memref<80xi32, #tpu.memory_space<vmem>>
      %dma_start3A_96 = arith.constant 0 : i32
      %dma_start3A_97 = arith.constant 0 : i32
      %dma_start3A_98 = tpu.memref_slice %arg2[%dma_start3A_96, %dma_start3A_97] : memref<800000x32xf32, #tpu.memory_space<hbm>> -> memref<800000x32xf32, #tpu.memory_space<hbm>>
      tpu.enqueue_indirect_dma source(%dma_start3A_98 : memref<800000x32xf32, #tpu.memory_space<hbm>>) target(%dma_start3A_93 : memref<80x32xf32, #tpu.memory_space<vmem>>) offsets(%dma_start3A_95 : memref<80xi32, #tpu.memory_space<vmem>>) semaphore(%arg13 : memref<!tpu.dma_semaphore, #tpu.memory_space<semaphore_mem>>)
      %gt3A_99 = arith.constant 0 : i32
      %gt3A_100 = arith.cmpi sgt, %scan3A_51, %gt3A_99 : i32
      %convert_element_type3A_101 = arith.extui %gt3A_100 : i1 to i32
      %cond3A_102 = arith.constant 0 : i32
      %cond3A_103 = arith.cmpi ne, %convert_element_type3A_101, %cond3A_102 : i32
      scf.if %cond3A_103 {
        %sub3A_447 = arith.constant 1 : i32
        %sub3A_448 = arith.subi %add3A_55, %sub3A_447 : i32
        %mul3A_449 = arith.constant 4 : i32
        %mul3A_450 = arith.muli %sub3A_448, %mul3A_449 : i32
        %add3A_451 = arith.constant 1 : i32
        %add3A_452 = arith.addi %mul3A_450, %add3A_451 : i32
        %mul3A_453 = arith.constant 400 : i32
        %mul3A_454 = arith.muli %add3A_452, %mul3A_453 : i32
        %dma_wait3A_455 = arith.constant 0 : i32
        %dma_wait3A_456 = tpu.memref_slice %arg5[%mul3A_454, %dma_wait3A_455] : memref<1638400x32xf32, #tpu.memory_space<hbm>> -> memref<400x32xf32, #tpu.memory_space<hbm>>
        %dma_wait3A_457 = arith.constant 0 : i32
        %dma_wait3A_458 = tpu.memref_slice %arg5[%mul3A_454, %dma_wait3A_457] : memref<1638400x32xf32, #tpu.memory_space<hbm>> -> memref<400x32xf32, #tpu.memory_space<hbm>>
        tpu.wait_dma2 semaphore(%arg18 : memref<!tpu.dma_semaphore, #tpu.memory_space<semaphore_mem>>) src(%arg10 : memref<400x32xf32, #tpu.memory_space<vmem>>) dst(%dma_wait3A_458 : memref<400x32xf32, #tpu.memory_space<hbm>>)
      } else {
      }
      %dma_start3A_104 = arith.constant 0 : i32
      %dma_start3A_105 = arith.constant 0 : i32
      %dma_start3A_106 = tpu.memref_slice %arg10[%dma_start3A_104, %dma_start3A_105] : memref<400x32xf32, #tpu.memory_space<vmem>> -> memref<80x32xf32, #tpu.memory_space<vmem>>
      %dma_start3A_107 = arith.constant 400 : i32
      %dma_start3A_108 = tpu.memref_slice %arg8[%dma_start3A_107] : memref<1600xi32, #tpu.memory_space<vmem>> -> memref<80xi32, #tpu.memory_space<vmem>>
      %dma_start3A_109 = arith.constant 0 : i32
      %dma_start3A_110 = arith.constant 0 : i32
      %dma_start3A_111 = tpu.memref_slice %arg2[%dma_start3A_109, %dma_start3A_110] : memref<800000x32xf32, #tpu.memory_space<hbm>> -> memref<800000x32xf32, #tpu.memory_space<hbm>>
      tpu.enqueue_indirect_dma source(%dma_start3A_111 : memref<800000x32xf32, #tpu.memory_space<hbm>>) target(%dma_start3A_106 : memref<80x32xf32, #tpu.memory_space<vmem>>) offsets(%dma_start3A_108 : memref<80xi32, #tpu.memory_space<vmem>>) semaphore(%arg14 : memref<!tpu.dma_semaphore, #tpu.memory_space<semaphore_mem>>)
      %dma_start3A_112 = arith.constant 80 : i32
      %dma_start3A_113 = arith.constant 0 : i32
      %dma_start3A_114 = tpu.memref_slice %arg10[%dma_start3A_112, %dma_start3A_113] : memref<400x32xf32, #tpu.memory_space<vmem>> -> memref<80x32xf32, #tpu.memory_space<vmem>>
      %dma_start3A_115 = arith.constant 480 : i32
      %dma_start3A_116 = tpu.memref_slice %arg8[%dma_start3A_115] : memref<1600xi32, #tpu.memory_space<vmem>> -> memref<80xi32, #tpu.memory_space<vmem>>
      %dma_start3A_117 = arith.constant 0 : i32
      %dma_start3A_118 = arith.constant 0 : i32
      %dma_start3A_119 = tpu.memref_slice %arg2[%dma_start3A_117, %dma_start3A_118] : memref<800000x32xf32, #tpu.memory_space<hbm>> -> memref<800000x32xf32, #tpu.memory_space<hbm>>
      tpu.enqueue_indirect_dma source(%dma_start3A_119 : memref<800000x32xf32, #tpu.memory_space<hbm>>) target(%dma_start3A_114 : memref<80x32xf32, #tpu.memory_space<vmem>>) offsets(%dma_start3A_116 : memref<80xi32, #tpu.memory_space<vmem>>) semaphore(%arg14 : memref<!tpu.dma_semaphore, #tpu.memory_space<semaphore_mem>>)
      %dma_start3A_120 = arith.constant 160 : i32
      %dma_start3A_121 = arith.constant 0 : i32
      %dma_start3A_122 = tpu.memref_slice %arg10[%dma_start3A_120, %dma_start3A_121] : memref<400x32xf32, #tpu.memory_space<vmem>> -> memref<80x32xf32, #tpu.memory_space<vmem>>
      %dma_start3A_123 = arith.constant 560 : i32
      %dma_start3A_124 = tpu.memref_slice %arg8[%dma_start3A_123] : memref<1600xi32, #tpu.memory_space<vmem>> -> memref<80xi32, #tpu.memory_space<vmem>>
      %dma_start3A_125 = arith.constant 0 : i32
      %dma_start3A_126 = arith.constant 0 : i32
      %dma_start3A_127 = tpu.memref_slice %arg2[%dma_start3A_125, %dma_start3A_126] : memref<800000x32xf32, #tpu.memory_space<hbm>> -> memref<800000x32xf32, #tpu.memory_space<hbm>>
      tpu.enqueue_indirect_dma source(%dma_start3A_127 : memref<800000x32xf32, #tpu.memory_space<hbm>>) target(%dma_start3A_122 : memref<80x32xf32, #tpu.memory_space<vmem>>) offsets(%dma_start3A_124 : memref<80xi32, #tpu.memory_space<vmem>>) semaphore(%arg14 : memref<!tpu.dma_semaphore, #tpu.memory_space<semaphore_mem>>)
      %dma_start3A_128 = arith.constant 240 : i32
      %dma_start3A_129 = arith.constant 0 : i32
      %dma_start3A_130 = tpu.memref_slice %arg10[%dma_start3A_128, %dma_start3A_129] : memref<400x32xf32, #tpu.memory_space<vmem>> -> memref<80x32xf32, #tpu.memory_space<vmem>>
      %dma_start3A_131 = arith.constant 640 : i32
      %dma_start3A_132 = tpu.memref_slice %arg8[%dma_start3A_131] : memref<1600xi32, #tpu.memory_space<vmem>> -> memref<80xi32, #tpu.memory_space<vmem>>
      %dma_start3A_133 = arith.constant 0 : i32
      %dma_start3A_134 = arith.constant 0 : i32
      %dma_start3A_135 = tpu.memref_slice %arg2[%dma_start3A_133, %dma_start3A_134] : memref<800000x32xf32, #tpu.memory_space<hbm>> -> memref<800000x32xf32, #tpu.memory_space<hbm>>
      tpu.enqueue_indirect_dma source(%dma_start3A_135 : memref<800000x32xf32, #tpu.memory_space<hbm>>) target(%dma_start3A_130 : memref<80x32xf32, #tpu.memory_space<vmem>>) offsets(%dma_start3A_132 : memref<80xi32, #tpu.memory_space<vmem>>) semaphore(%arg14 : memref<!tpu.dma_semaphore, #tpu.memory_space<semaphore_mem>>)
      %dma_start3A_136 = arith.constant 320 : i32
      %dma_start3A_137 = arith.constant 0 : i32
      %dma_start3A_138 = tpu.memref_slice %arg10[%dma_start3A_136, %dma_start3A_137] : memref<400x32xf32, #tpu.memory_space<vmem>> -> memref<80x32xf32, #tpu.memory_space<vmem>>
      %dma_start3A_139 = arith.constant 720 : i32
      %dma_start3A_140 = tpu.memref_slice %arg8[%dma_start3A_139] : memref<1600xi32, #tpu.memory_space<vmem>> -> memref<80xi32, #tpu.memory_space<vmem>>
      %dma_start3A_141 = arith.constant 0 : i32
      %dma_start3A_142 = arith.constant 0 : i32
      %dma_start3A_143 = tpu.memref_slice %arg2[%dma_start3A_141, %dma_start3A_142] : memref<800000x32xf32, #tpu.memory_space<hbm>> -> memref<800000x32xf32, #tpu.memory_space<hbm>>
      tpu.enqueue_indirect_dma source(%dma_start3A_143 : memref<800000x32xf32, #tpu.memory_space<hbm>>) target(%dma_start3A_138 : memref<80x32xf32, #tpu.memory_space<vmem>>) offsets(%dma_start3A_140 : memref<80xi32, #tpu.memory_space<vmem>>) semaphore(%arg14 : memref<!tpu.dma_semaphore, #tpu.memory_space<semaphore_mem>>)
      %gt3A_144 = arith.constant 0 : i32
      %gt3A_145 = arith.cmpi sgt, %scan3A_51, %gt3A_144 : i32
      %convert_element_type3A_146 = arith.extui %gt3A_145 : i1 to i32
      %cond3A_147 = arith.constant 0 : i32
      %cond3A_148 = arith.cmpi ne, %convert_element_type3A_146, %cond3A_147 : i32
      scf.if %cond3A_148 {
        %sub3A_447 = arith.constant 1 : i32
        %sub3A_448 = arith.subi %add3A_55, %sub3A_447 : i32
        %mul3A_449 = arith.constant 4 : i32
        %mul3A_450 = arith.muli %sub3A_448, %mul3A_449 : i32
        %add3A_451 = arith.constant 2 : i32
        %add3A_452 = arith.addi %mul3A_450, %add3A_451 : i32
        %mul3A_453 = arith.constant 400 : i32
        %mul3A_454 = arith.muli %add3A_452, %mul3A_453 : i32
        %dma_wait3A_455 = arith.constant 0 : i32
        %dma_wait3A_456 = tpu.memref_slice %arg5[%mul3A_454, %dma_wait3A_455] : memref<1638400x32xf32, #tpu.memory_space<hbm>> -> memref<400x32xf32, #tpu.memory_space<hbm>>
        %dma_wait3A_457 = arith.constant 0 : i32
        %dma_wait3A_458 = tpu.memref_slice %arg5[%mul3A_454, %dma_wait3A_457] : memref<1638400x32xf32, #tpu.memory_space<hbm>> -> memref<400x32xf32, #tpu.memory_space<hbm>>
        tpu.wait_dma2 semaphore(%arg19 : memref<!tpu.dma_semaphore, #tpu.memory_space<semaphore_mem>>) src(%arg11 : memref<400x32xf32, #tpu.memory_space<vmem>>) dst(%dma_wait3A_458 : memref<400x32xf32, #tpu.memory_space<hbm>>)
      } else {
      }
      %dma_start3A_149 = arith.constant 0 : i32
      %dma_start3A_150 = arith.constant 0 : i32
      %dma_start3A_151 = tpu.memref_slice %arg11[%dma_start3A_149, %dma_start3A_150] : memref<400x32xf32, #tpu.memory_space<vmem>> -> memref<80x32xf32, #tpu.memory_space<vmem>>
      %dma_start3A_152 = arith.constant 800 : i32
      %dma_start3A_153 = tpu.memref_slice %arg8[%dma_start3A_152] : memref<1600xi32, #tpu.memory_space<vmem>> -> memref<80xi32, #tpu.memory_space<vmem>>
      %dma_start3A_154 = arith.constant 0 : i32
      %dma_start3A_155 = arith.constant 0 : i32
      %dma_start3A_156 = tpu.memref_slice %arg2[%dma_start3A_154, %dma_start3A_155] : memref<800000x32xf32, #tpu.memory_space<hbm>> -> memref<800000x32xf32, #tpu.memory_space<hbm>>
      tpu.enqueue_indirect_dma source(%dma_start3A_156 : memref<800000x32xf32, #tpu.memory_space<hbm>>) target(%dma_start3A_151 : memref<80x32xf32, #tpu.memory_space<vmem>>) offsets(%dma_start3A_153 : memref<80xi32, #tpu.memory_space<vmem>>) semaphore(%arg15 : memref<!tpu.dma_semaphore, #tpu.memory_space<semaphore_mem>>)
      %dma_start3A_157 = arith.constant 80 : i32
      %dma_start3A_158 = arith.constant 0 : i32
      %dma_start3A_159 = tpu.memref_slice %arg11[%dma_start3A_157, %dma_start3A_158] : memref<400x32xf32, #tpu.memory_space<vmem>> -> memref<80x32xf32, #tpu.memory_space<vmem>>
      %dma_start3A_160 = arith.constant 880 : i32
      %dma_start3A_161 = tpu.memref_slice %arg8[%dma_start3A_160] : memref<1600xi32, #tpu.memory_space<vmem>> -> memref<80xi32, #tpu.memory_space<vmem>>
      %dma_start3A_162 = arith.constant 0 : i32
      %dma_start3A_163 = arith.constant 0 : i32
      %dma_start3A_164 = tpu.memref_slice %arg2[%dma_start3A_162, %dma_start3A_163] : memref<800000x32xf32, #tpu.memory_space<hbm>> -> memref<800000x32xf32, #tpu.memory_space<hbm>>
      tpu.enqueue_indirect_dma source(%dma_start3A_164 : memref<800000x32xf32, #tpu.memory_space<hbm>>) target(%dma_start3A_159 : memref<80x32xf32, #tpu.memory_space<vmem>>) offsets(%dma_start3A_161 : memref<80xi32, #tpu.memory_space<vmem>>) semaphore(%arg15 : memref<!tpu.dma_semaphore, #tpu.memory_space<semaphore_mem>>)
      %dma_start3A_165 = arith.constant 160 : i32
      %dma_start3A_166 = arith.constant 0 : i32
      %dma_start3A_167 = tpu.memref_slice %arg11[%dma_start3A_165, %dma_start3A_166] : memref<400x32xf32, #tpu.memory_space<vmem>> -> memref<80x32xf32, #tpu.memory_space<vmem>>
      %dma_start3A_168 = arith.constant 960 : i32
      %dma_start3A_169 = tpu.memref_slice %arg8[%dma_start3A_168] : memref<1600xi32, #tpu.memory_space<vmem>> -> memref<80xi32, #tpu.memory_space<vmem>>
      %dma_start3A_170 = arith.constant 0 : i32
      %dma_start3A_171 = arith.constant 0 : i32
      %dma_start3A_172 = tpu.memref_slice %arg2[%dma_start3A_170, %dma_start3A_171] : memref<800000x32xf32, #tpu.memory_space<hbm>> -> memref<800000x32xf32, #tpu.memory_space<hbm>>
      tpu.enqueue_indirect_dma source(%dma_start3A_172 : memref<800000x32xf32, #tpu.memory_space<hbm>>) target(%dma_start3A_167 : memref<80x32xf32, #tpu.memory_space<vmem>>) offsets(%dma_start3A_169 : memref<80xi32, #tpu.memory_space<vmem>>) semaphore(%arg15 : memref<!tpu.dma_semaphore, #tpu.memory_space<semaphore_mem>>)
      %dma_start3A_173 = arith.constant 240 : i32
      %dma_start3A_174 = arith.constant 0 : i32
      %dma_start3A_175 = tpu.memref_slice %arg11[%dma_start3A_173, %dma_start3A_174] : memref<400x32xf32, #tpu.memory_space<vmem>> -> memref<80x32xf32, #tpu.memory_space<vmem>>
      %dma_start3A_176 = arith.constant 1040 : i32
      %dma_start3A_177 = tpu.memref_slice %arg8[%dma_start3A_176] : memref<1600xi32, #tpu.memory_space<vmem>> -> memref<80xi32, #tpu.memory_space<vmem>>
      %dma_start3A_178 = arith.constant 0 : i32
      %dma_start3A_179 = arith.constant 0 : i32
      %dma_start3A_180 = tpu.memref_slice %arg2[%dma_start3A_178, %dma_start3A_179] : memref<800000x32xf32, #tpu.memory_space<hbm>> -> memref<800000x32xf32, #tpu.memory_space<hbm>>
      tpu.enqueue_indirect_dma source(%dma_start3A_180 : memref<800000x32xf32, #tpu.memory_space<hbm>>) target(%dma_start3A_175 : memref<80x32xf32, #tpu.memory_space<vmem>>) offsets(%dma_start3A_177 : memref<80xi32, #tpu.memory_space<vmem>>) semaphore(%arg15 : memref<!tpu.dma_semaphore, #tpu.memory_space<semaphore_mem>>)
      %dma_start3A_181 = arith.constant 320 : i32
      %dma_start3A_182 = arith.constant 0 : i32
      %dma_start3A_183 = tpu.memref_slice %arg11[%dma_start3A_181, %dma_start3A_182] : memref<400x32xf32, #tpu.memory_space<vmem>> -> memref<80x32xf32, #tpu.memory_space<vmem>>
      %dma_start3A_184 = arith.constant 1120 : i32
      %dma_start3A_185 = tpu.memref_slice %arg8[%dma_start3A_184] : memref<1600xi32, #tpu.memory_space<vmem>> -> memref<80xi32, #tpu.memory_space<vmem>>
      %dma_start3A_186 = arith.constant 0 : i32
      %dma_start3A_187 = arith.constant 0 : i32
      %dma_start3A_188 = tpu.memref_slice %arg2[%dma_start3A_186, %dma_start3A_187] : memref<800000x32xf32, #tpu.memory_space<hbm>> -> memref<800000x32xf32, #tpu.memory_space<hbm>>
      tpu.enqueue_indirect_dma source(%dma_start3A_188 : memref<800000x32xf32, #tpu.memory_space<hbm>>) target(%dma_start3A_183 : memref<80x32xf32, #tpu.memory_space<vmem>>) offsets(%dma_start3A_185 : memref<80xi32, #tpu.memory_space<vmem>>) semaphore(%arg15 : memref<!tpu.dma_semaphore, #tpu.memory_space<semaphore_mem>>)
      %gt3A_189 = arith.constant 0 : i32
      %gt3A_190 = arith.cmpi sgt, %scan3A_51, %gt3A_189 : i32
      %convert_element_type3A_191 = arith.extui %gt3A_190 : i1 to i32
      %cond3A_192 = arith.constant 0 : i32
      %cond3A_193 = arith.cmpi ne, %convert_element_type3A_191, %cond3A_192 : i32
      scf.if %cond3A_193 {
        %sub3A_447 = arith.constant 1 : i32
        %sub3A_448 = arith.subi %add3A_55, %sub3A_447 : i32
        %mul3A_449 = arith.constant 4 : i32
        %mul3A_450 = arith.muli %sub3A_448, %mul3A_449 : i32
        %add3A_451 = arith.constant 3 : i32
        %add3A_452 = arith.addi %mul3A_450, %add3A_451 : i32
        %mul3A_453 = arith.constant 400 : i32
        %mul3A_454 = arith.muli %add3A_452, %mul3A_453 : i32
        %dma_wait3A_455 = arith.constant 0 : i32
        %dma_wait3A_456 = tpu.memref_slice %arg5[%mul3A_454, %dma_wait3A_455] : memref<1638400x32xf32, #tpu.memory_space<hbm>> -> memref<400x32xf32, #tpu.memory_space<hbm>>
        %dma_wait3A_457 = arith.constant 0 : i32
        %dma_wait3A_458 = tpu.memref_slice %arg5[%mul3A_454, %dma_wait3A_457] : memref<1638400x32xf32, #tpu.memory_space<hbm>> -> memref<400x32xf32, #tpu.memory_space<hbm>>
        tpu.wait_dma2 semaphore(%arg20 : memref<!tpu.dma_semaphore, #tpu.memory_space<semaphore_mem>>) src(%arg12 : memref<400x32xf32, #tpu.memory_space<vmem>>) dst(%dma_wait3A_458 : memref<400x32xf32, #tpu.memory_space<hbm>>)
      } else {
      }
      %dma_start3A_194 = arith.constant 0 : i32
      %dma_start3A_195 = arith.constant 0 : i32
      %dma_start3A_196 = tpu.memref_slice %arg12[%dma_start3A_194, %dma_start3A_195] : memref<400x32xf32, #tpu.memory_space<vmem>> -> memref<80x32xf32, #tpu.memory_space<vmem>>
      %dma_start3A_197 = arith.constant 1200 : i32
      %dma_start3A_198 = tpu.memref_slice %arg8[%dma_start3A_197] : memref<1600xi32, #tpu.memory_space<vmem>> -> memref<80xi32, #tpu.memory_space<vmem>>
      %dma_start3A_199 = arith.constant 0 : i32
      %dma_start3A_200 = arith.constant 0 : i32
      %dma_start3A_201 = tpu.memref_slice %arg2[%dma_start3A_199, %dma_start3A_200] : memref<800000x32xf32, #tpu.memory_space<hbm>> -> memref<800000x32xf32, #tpu.memory_space<hbm>>
      tpu.enqueue_indirect_dma source(%dma_start3A_201 : memref<800000x32xf32, #tpu.memory_space<hbm>>) target(%dma_start3A_196 : memref<80x32xf32, #tpu.memory_space<vmem>>) offsets(%dma_start3A_198 : memref<80xi32, #tpu.memory_space<vmem>>) semaphore(%arg16 : memref<!tpu.dma_semaphore, #tpu.memory_space<semaphore_mem>>)
      %dma_start3A_202 = arith.constant 80 : i32
      %dma_start3A_203 = arith.constant 0 : i32
      %dma_start3A_204 = tpu.memref_slice %arg12[%dma_start3A_202, %dma_start3A_203] : memref<400x32xf32, #tpu.memory_space<vmem>> -> memref<80x32xf32, #tpu.memory_space<vmem>>
      %dma_start3A_205 = arith.constant 1280 : i32
      %dma_start3A_206 = tpu.memref_slice %arg8[%dma_start3A_205] : memref<1600xi32, #tpu.memory_space<vmem>> -> memref<80xi32, #tpu.memory_space<vmem>>
      %dma_start3A_207 = arith.constant 0 : i32
      %dma_start3A_208 = arith.constant 0 : i32
      %dma_start3A_209 = tpu.memref_slice %arg2[%dma_start3A_207, %dma_start3A_208] : memref<800000x32xf32, #tpu.memory_space<hbm>> -> memref<800000x32xf32, #tpu.memory_space<hbm>>
      tpu.enqueue_indirect_dma source(%dma_start3A_209 : memref<800000x32xf32, #tpu.memory_space<hbm>>) target(%dma_start3A_204 : memref<80x32xf32, #tpu.memory_space<vmem>>) offsets(%dma_start3A_206 : memref<80xi32, #tpu.memory_space<vmem>>) semaphore(%arg16 : memref<!tpu.dma_semaphore, #tpu.memory_space<semaphore_mem>>)
      %dma_start3A_210 = arith.constant 160 : i32
      %dma_start3A_211 = arith.constant 0 : i32
      %dma_start3A_212 = tpu.memref_slice %arg12[%dma_start3A_210, %dma_start3A_211] : memref<400x32xf32, #tpu.memory_space<vmem>> -> memref<80x32xf32, #tpu.memory_space<vmem>>
      %dma_start3A_213 = arith.constant 1360 : i32
      %dma_start3A_214 = tpu.memref_slice %arg8[%dma_start3A_213] : memref<1600xi32, #tpu.memory_space<vmem>> -> memref<80xi32, #tpu.memory_space<vmem>>
      %dma_start3A_215 = arith.constant 0 : i32
      %dma_start3A_216 = arith.constant 0 : i32
      %dma_start3A_217 = tpu.memref_slice %arg2[%dma_start3A_215, %dma_start3A_216] : memref<800000x32xf32, #tpu.memory_space<hbm>> -> memref<800000x32xf32, #tpu.memory_space<hbm>>
      tpu.enqueue_indirect_dma source(%dma_start3A_217 : memref<800000x32xf32, #tpu.memory_space<hbm>>) target(%dma_start3A_212 : memref<80x32xf32, #tpu.memory_space<vmem>>) offsets(%dma_start3A_214 : memref<80xi32, #tpu.memory_space<vmem>>) semaphore(%arg16 : memref<!tpu.dma_semaphore, #tpu.memory_space<semaphore_mem>>)
      %dma_start3A_218 = arith.constant 240 : i32
      %dma_start3A_219 = arith.constant 0 : i32
      %dma_start3A_220 = tpu.memref_slice %arg12[%dma_start3A_218, %dma_start3A_219] : memref<400x32xf32, #tpu.memory_space<vmem>> -> memref<80x32xf32, #tpu.memory_space<vmem>>
      %dma_start3A_221 = arith.constant 1440 : i32
      %dma_start3A_222 = tpu.memref_slice %arg8[%dma_start3A_221] : memref<1600xi32, #tpu.memory_space<vmem>> -> memref<80xi32, #tpu.memory_space<vmem>>
      %dma_start3A_223 = arith.constant 0 : i32
      %dma_start3A_224 = arith.constant 0 : i32
      %dma_start3A_225 = tpu.memref_slice %arg2[%dma_start3A_223, %dma_start3A_224] : memref<800000x32xf32, #tpu.memory_space<hbm>> -> memref<800000x32xf32, #tpu.memory_space<hbm>>
      tpu.enqueue_indirect_dma source(%dma_start3A_225 : memref<800000x32xf32, #tpu.memory_space<hbm>>) target(%dma_start3A_220 : memref<80x32xf32, #tpu.memory_space<vmem>>) offsets(%dma_start3A_222 : memref<80xi32, #tpu.memory_space<vmem>>) semaphore(%arg16 : memref<!tpu.dma_semaphore, #tpu.memory_space<semaphore_mem>>)
      %dma_start3A_226 = arith.constant 320 : i32
      %dma_start3A_227 = arith.constant 0 : i32
      %dma_start3A_228 = tpu.memref_slice %arg12[%dma_start3A_226, %dma_start3A_227] : memref<400x32xf32, #tpu.memory_space<vmem>> -> memref<80x32xf32, #tpu.memory_space<vmem>>
      %dma_start3A_229 = arith.constant 1520 : i32
      %dma_start3A_230 = tpu.memref_slice %arg8[%dma_start3A_229] : memref<1600xi32, #tpu.memory_space<vmem>> -> memref<80xi32, #tpu.memory_space<vmem>>
      %dma_start3A_231 = arith.constant 0 : i32
      %dma_start3A_232 = arith.constant 0 : i32
      %dma_start3A_233 = tpu.memref_slice %arg2[%dma_start3A_231, %dma_start3A_232] : memref<800000x32xf32, #tpu.memory_space<hbm>> -> memref<800000x32xf32, #tpu.memory_space<hbm>>
      tpu.enqueue_indirect_dma source(%dma_start3A_233 : memref<800000x32xf32, #tpu.memory_space<hbm>>) target(%dma_start3A_228 : memref<80x32xf32, #tpu.memory_space<vmem>>) offsets(%dma_start3A_230 : memref<80xi32, #tpu.memory_space<vmem>>) semaphore(%arg16 : memref<!tpu.dma_semaphore, #tpu.memory_space<semaphore_mem>>)
      %dma_wait3A_234 = arith.constant 0 : i32
      %dma_wait3A_235 = arith.constant 0 : i32
      %dma_wait3A_236 = tpu.memref_slice %arg9[%dma_wait3A_234, %dma_wait3A_235] : memref<400x32xf32, #tpu.memory_space<vmem>> -> memref<80x32xf32, #tpu.memory_space<vmem>>
      %dma_wait3A_237 = arith.constant 0 : i32
      %dma_wait3A_238 = tpu.memref_slice %arg8[%dma_wait3A_237] : memref<1600xi32, #tpu.memory_space<vmem>> -> memref<80xi32, #tpu.memory_space<vmem>>
      %dma_wait3A_239 = arith.constant 0 : i32
      %dma_wait3A_240 = arith.constant 0 : i32
      %dma_wait3A_241 = tpu.memref_slice %arg2[%dma_wait3A_239, %dma_wait3A_240] : memref<800000x32xf32, #tpu.memory_space<hbm>> -> memref<800000x32xf32, #tpu.memory_space<hbm>>
      tpu.wait_indirect_dma semaphore(%arg13 : memref<!tpu.dma_semaphore, #tpu.memory_space<semaphore_mem>>) src(%dma_wait3A_241 : memref<800000x32xf32, #tpu.memory_space<hbm>>) dst(%dma_wait3A_236 : memref<80x32xf32, #tpu.memory_space<vmem>>)
      %dma_wait3A_242 = arith.constant 80 : i32
      %dma_wait3A_243 = arith.constant 0 : i32
      %dma_wait3A_244 = tpu.memref_slice %arg9[%dma_wait3A_242, %dma_wait3A_243] : memref<400x32xf32, #tpu.memory_space<vmem>> -> memref<80x32xf32, #tpu.memory_space<vmem>>
      %dma_wait3A_245 = arith.constant 80 : i32
      %dma_wait3A_246 = tpu.memref_slice %arg8[%dma_wait3A_245] : memref<1600xi32, #tpu.memory_space<vmem>> -> memref<80xi32, #tpu.memory_space<vmem>>
      %dma_wait3A_247 = arith.constant 0 : i32
      %dma_wait3A_248 = arith.constant 0 : i32
      %dma_wait3A_249 = tpu.memref_slice %arg2[%dma_wait3A_247, %dma_wait3A_248] : memref<800000x32xf32, #tpu.memory_space<hbm>> -> memref<800000x32xf32, #tpu.memory_space<hbm>>
      tpu.wait_indirect_dma semaphore(%arg13 : memref<!tpu.dma_semaphore, #tpu.memory_space<semaphore_mem>>) src(%dma_wait3A_249 : memref<800000x32xf32, #tpu.memory_space<hbm>>) dst(%dma_wait3A_244 : memref<80x32xf32, #tpu.memory_space<vmem>>)
      %dma_wait3A_250 = arith.constant 160 : i32
      %dma_wait3A_251 = arith.constant 0 : i32
      %dma_wait3A_252 = tpu.memref_slice %arg9[%dma_wait3A_250, %dma_wait3A_251] : memref<400x32xf32, #tpu.memory_space<vmem>> -> memref<80x32xf32, #tpu.memory_space<vmem>>
      %dma_wait3A_253 = arith.constant 160 : i32
      %dma_wait3A_254 = tpu.memref_slice %arg8[%dma_wait3A_253] : memref<1600xi32, #tpu.memory_space<vmem>> -> memref<80xi32, #tpu.memory_space<vmem>>
      %dma_wait3A_255 = arith.constant 0 : i32
      %dma_wait3A_256 = arith.constant 0 : i32
      %dma_wait3A_257 = tpu.memref_slice %arg2[%dma_wait3A_255, %dma_wait3A_256] : memref<800000x32xf32, #tpu.memory_space<hbm>> -> memref<800000x32xf32, #tpu.memory_space<hbm>>
      tpu.wait_indirect_dma semaphore(%arg13 : memref<!tpu.dma_semaphore, #tpu.memory_space<semaphore_mem>>) src(%dma_wait3A_257 : memref<800000x32xf32, #tpu.memory_space<hbm>>) dst(%dma_wait3A_252 : memref<80x32xf32, #tpu.memory_space<vmem>>)
      %dma_wait3A_258 = arith.constant 240 : i32
      %dma_wait3A_259 = arith.constant 0 : i32
      %dma_wait3A_260 = tpu.memref_slice %arg9[%dma_wait3A_258, %dma_wait3A_259] : memref<400x32xf32, #tpu.memory_space<vmem>> -> memref<80x32xf32, #tpu.memory_space<vmem>>
      %dma_wait3A_261 = arith.constant 240 : i32
      %dma_wait3A_262 = tpu.memref_slice %arg8[%dma_wait3A_261] : memref<1600xi32, #tpu.memory_space<vmem>> -> memref<80xi32, #tpu.memory_space<vmem>>
      %dma_wait3A_263 = arith.constant 0 : i32
      %dma_wait3A_264 = arith.constant 0 : i32
      %dma_wait3A_265 = tpu.memref_slice %arg2[%dma_wait3A_263, %dma_wait3A_264] : memref<800000x32xf32, #tpu.memory_space<hbm>> -> memref<800000x32xf32, #tpu.memory_space<hbm>>
      tpu.wait_indirect_dma semaphore(%arg13 : memref<!tpu.dma_semaphore, #tpu.memory_space<semaphore_mem>>) src(%dma_wait3A_265 : memref<800000x32xf32, #tpu.memory_space<hbm>>) dst(%dma_wait3A_260 : memref<80x32xf32, #tpu.memory_space<vmem>>)
      %dma_wait3A_266 = arith.constant 320 : i32
      %dma_wait3A_267 = arith.constant 0 : i32
      %dma_wait3A_268 = tpu.memref_slice %arg9[%dma_wait3A_266, %dma_wait3A_267] : memref<400x32xf32, #tpu.memory_space<vmem>> -> memref<80x32xf32, #tpu.memory_space<vmem>>
      %dma_wait3A_269 = arith.constant 320 : i32
      %dma_wait3A_270 = tpu.memref_slice %arg8[%dma_wait3A_269] : memref<1600xi32, #tpu.memory_space<vmem>> -> memref<80xi32, #tpu.memory_space<vmem>>
      %dma_wait3A_271 = arith.constant 0 : i32
      %dma_wait3A_272 = arith.constant 0 : i32
      %dma_wait3A_273 = tpu.memref_slice %arg2[%dma_wait3A_271, %dma_wait3A_272] : memref<800000x32xf32, #tpu.memory_space<hbm>> -> memref<800000x32xf32, #tpu.memory_space<hbm>>
      tpu.wait_indirect_dma semaphore(%arg13 : memref<!tpu.dma_semaphore, #tpu.memory_space<semaphore_mem>>) src(%dma_wait3A_273 : memref<800000x32xf32, #tpu.memory_space<hbm>>) dst(%dma_wait3A_268 : memref<80x32xf32, #tpu.memory_space<vmem>>)
      %parallel_loop3A_274 = arith.constant 0 : i32
      %parallel_loop3A_275 = arith.constant 400 : i32
      %parallel_loop3A_276 = arith.constant 1 : i32
      scf.for %parallel_loop3A_447 = %parallel_loop3A_274 to %parallel_loop3A_275 step %parallel_loop3A_276  : i32 {
        %parallel_loop3A_448 = arith.constant 0 : i32
        %parallel_loop3A_449 = arith.addi %parallel_loop3A_448, %parallel_loop3A_447 : i32
        %parallel_loop3A_450 = arith.index_cast %parallel_loop3A_449 : i32 to index
        %parallel_loop3A_451 = arith.constant 0 : index
        %parallel_loop3A_452 = tpu.vector_load %arg6[%parallel_loop3A_450, %parallel_loop3A_451] {strides = array<i32>} : memref<1600x32xf32, #tpu.memory_space<vmem>>, vector<16xf32>,
        %parallel_loop3A_453 = arith.index_cast %parallel_loop3A_447 : i32 to index
        %parallel_loop3A_454 = arith.constant 0 : index
        %parallel_loop3A_455 = tpu.vector_load %arg9[%parallel_loop3A_453, %parallel_loop3A_454] {strides = array<i32>} : memref<400x32xf32, #tpu.memory_space<vmem>>, vector<16xf32>,
        tpu.vector_store %arg9[%parallel_loop3A_453, %parallel_loop3A_454], %parallel_loop3A_452 {add = true, strides = array<i32>} : memref<400x32xf32, #tpu.memory_space<vmem>>, vector<16xf32>,
        %parallel_loop3A_456 = arith.constant 0 : i32
        %parallel_loop3A_457 = arith.addi %parallel_loop3A_456, %parallel_loop3A_447 : i32
        %parallel_loop3A_458 = arith.index_cast %parallel_loop3A_457 : i32 to index
        %parallel_loop3A_459 = arith.constant 16 : index
        %parallel_loop3A_460 = tpu.vector_load %arg6[%parallel_loop3A_458, %parallel_loop3A_459] {strides = array<i32>} : memref<1600x32xf32, #tpu.memory_space<vmem>>, vector<16xf32>,
        %parallel_loop3A_461 = arith.index_cast %parallel_loop3A_447 : i32 to index
        %parallel_loop3A_462 = arith.constant 16 : index
        %parallel_loop3A_463 = tpu.vector_load %arg9[%parallel_loop3A_461, %parallel_loop3A_462] {strides = array<i32>} : memref<400x32xf32, #tpu.memory_space<vmem>>, vector<16xf32>,
        tpu.vector_store %arg9[%parallel_loop3A_461, %parallel_loop3A_462], %parallel_loop3A_460 {add = true, strides = array<i32>} : memref<400x32xf32, #tpu.memory_space<vmem>>, vector<16xf32>,
      } {sc.loop_unroll_factor = 4 : i64, sc.parallel_access}
      %mul3A_277 = arith.constant 4 : i32
      %mul3A_278 = arith.muli %add3A_55, %mul3A_277 : i32
      %add3A_279 = arith.constant 0 : i32
      %add3A_280 = arith.addi %mul3A_278, %add3A_279 : i32
      %mul3A_281 = arith.constant 400 : i32
      %mul3A_282 = arith.muli %add3A_280, %mul3A_281 : i32
      %dma_start3A_283 = arith.constant 0 : i32
      %dma_start3A_284 = tpu.memref_slice %arg5[%mul3A_282, %dma_start3A_283] : memref<1638400x32xf32, #tpu.memory_space<hbm>> -> memref<400x32xf32, #tpu.memory_space<hbm>>
      %dma_start3A_285 = arith.constant 0 : i32
      %dma_start3A_286 = tpu.memref_slice %arg5[%mul3A_282, %dma_start3A_285] : memref<1638400x32xf32, #tpu.memory_space<hbm>> -> memref<400x32xf32, #tpu.memory_space<hbm>>
      tpu.enqueue_dma source(%arg9 : memref<400x32xf32, #tpu.memory_space<vmem>>) target(%dma_start3A_286 : memref<400x32xf32, #tpu.memory_space<hbm>>) target_semaphore(%arg17 : memref<!tpu.dma_semaphore, #tpu.memory_space<semaphore_mem>>)
      %dma_wait3A_287 = arith.constant 0 : i32
      %dma_wait3A_288 = arith.constant 0 : i32
      %dma_wait3A_289 = tpu.memref_slice %arg10[%dma_wait3A_287, %dma_wait3A_288] : memref<400x32xf32, #tpu.memory_space<vmem>> -> memref<80x32xf32, #tpu.memory_space<vmem>>
      %dma_wait3A_290 = arith.constant 400 : i32
      %dma_wait3A_291 = tpu.memref_slice %arg8[%dma_wait3A_290] : memref<1600xi32, #tpu.memory_space<vmem>> -> memref<80xi32, #tpu.memory_space<vmem>>
      %dma_wait3A_292 = arith.constant 0 : i32
      %dma_wait3A_293 = arith.constant 0 : i32
      %dma_wait3A_294 = tpu.memref_slice %arg2[%dma_wait3A_292, %dma_wait3A_293] : memref<800000x32xf32, #tpu.memory_space<hbm>> -> memref<800000x32xf32, #tpu.memory_space<hbm>>
      tpu.wait_indirect_dma semaphore(%arg14 : memref<!tpu.dma_semaphore, #tpu.memory_space<semaphore_mem>>) src(%dma_wait3A_294 : memref<800000x32xf32, #tpu.memory_space<hbm>>) dst(%dma_wait3A_289 : memref<80x32xf32, #tpu.memory_space<vmem>>)
      %dma_wait3A_295 = arith.constant 80 : i32
      %dma_wait3A_296 = arith.constant 0 : i32
      %dma_wait3A_297 = tpu.memref_slice %arg10[%dma_wait3A_295, %dma_wait3A_296] : memref<400x32xf32, #tpu.memory_space<vmem>> -> memref<80x32xf32, #tpu.memory_space<vmem>>
      %dma_wait3A_298 = arith.constant 480 : i32
      %dma_wait3A_299 = tpu.memref_slice %arg8[%dma_wait3A_298] : memref<1600xi32, #tpu.memory_space<vmem>> -> memref<80xi32, #tpu.memory_space<vmem>>
      %dma_wait3A_300 = arith.constant 0 : i32
      %dma_wait3A_301 = arith.constant 0 : i32
      %dma_wait3A_302 = tpu.memref_slice %arg2[%dma_wait3A_300, %dma_wait3A_301] : memref<800000x32xf32, #tpu.memory_space<hbm>> -> memref<800000x32xf32, #tpu.memory_space<hbm>>
      tpu.wait_indirect_dma semaphore(%arg14 : memref<!tpu.dma_semaphore, #tpu.memory_space<semaphore_mem>>) src(%dma_wait3A_302 : memref<800000x32xf32, #tpu.memory_space<hbm>>) dst(%dma_wait3A_297 : memref<80x32xf32, #tpu.memory_space<vmem>>)
      %dma_wait3A_303 = arith.constant 160 : i32
      %dma_wait3A_304 = arith.constant 0 : i32
      %dma_wait3A_305 = tpu.memref_slice %arg10[%dma_wait3A_303, %dma_wait3A_304] : memref<400x32xf32, #tpu.memory_space<vmem>> -> memref<80x32xf32, #tpu.memory_space<vmem>>
      %dma_wait3A_306 = arith.constant 560 : i32
      %dma_wait3A_307 = tpu.memref_slice %arg8[%dma_wait3A_306] : memref<1600xi32, #tpu.memory_space<vmem>> -> memref<80xi32, #tpu.memory_space<vmem>>
      %dma_wait3A_308 = arith.constant 0 : i32
      %dma_wait3A_309 = arith.constant 0 : i32
      %dma_wait3A_310 = tpu.memref_slice %arg2[%dma_wait3A_308, %dma_wait3A_309] : memref<800000x32xf32, #tpu.memory_space<hbm>> -> memref<800000x32xf32, #tpu.memory_space<hbm>>
      tpu.wait_indirect_dma semaphore(%arg14 : memref<!tpu.dma_semaphore, #tpu.memory_space<semaphore_mem>>) src(%dma_wait3A_310 : memref<800000x32xf32, #tpu.memory_space<hbm>>) dst(%dma_wait3A_305 : memref<80x32xf32, #tpu.memory_space<vmem>>)
      %dma_wait3A_311 = arith.constant 240 : i32
      %dma_wait3A_312 = arith.constant 0 : i32
      %dma_wait3A_313 = tpu.memref_slice %arg10[%dma_wait3A_311, %dma_wait3A_312] : memref<400x32xf32, #tpu.memory_space<vmem>> -> memref<80x32xf32, #tpu.memory_space<vmem>>
      %dma_wait3A_314 = arith.constant 640 : i32
      %dma_wait3A_315 = tpu.memref_slice %arg8[%dma_wait3A_314] : memref<1600xi32, #tpu.memory_space<vmem>> -> memref<80xi32, #tpu.memory_space<vmem>>
      %dma_wait3A_316 = arith.constant 0 : i32
      %dma_wait3A_317 = arith.constant 0 : i32
      %dma_wait3A_318 = tpu.memref_slice %arg2[%dma_wait3A_316, %dma_wait3A_317] : memref<800000x32xf32, #tpu.memory_space<hbm>> -> memref<800000x32xf32, #tpu.memory_space<hbm>>
      tpu.wait_indirect_dma semaphore(%arg14 : memref<!tpu.dma_semaphore, #tpu.memory_space<semaphore_mem>>) src(%dma_wait3A_318 : memref<800000x32xf32, #tpu.memory_space<hbm>>) dst(%dma_wait3A_313 : memref<80x32xf32, #tpu.memory_space<vmem>>)
      %dma_wait3A_319 = arith.constant 320 : i32
      %dma_wait3A_320 = arith.constant 0 : i32
      %dma_wait3A_321 = tpu.memref_slice %arg10[%dma_wait3A_319, %dma_wait3A_320] : memref<400x32xf32, #tpu.memory_space<vmem>> -> memref<80x32xf32, #tpu.memory_space<vmem>>
      %dma_wait3A_322 = arith.constant 720 : i32
      %dma_wait3A_323 = tpu.memref_slice %arg8[%dma_wait3A_322] : memref<1600xi32, #tpu.memory_space<vmem>> -> memref<80xi32, #tpu.memory_space<vmem>>
      %dma_wait3A_324 = arith.constant 0 : i32
      %dma_wait3A_325 = arith.constant 0 : i32
      %dma_wait3A_326 = tpu.memref_slice %arg2[%dma_wait3A_324, %dma_wait3A_325] : memref<800000x32xf32, #tpu.memory_space<hbm>> -> memref<800000x32xf32, #tpu.memory_space<hbm>>
      tpu.wait_indirect_dma semaphore(%arg14 : memref<!tpu.dma_semaphore, #tpu.memory_space<semaphore_mem>>) src(%dma_wait3A_326 : memref<800000x32xf32, #tpu.memory_space<hbm>>) dst(%dma_wait3A_321 : memref<80x32xf32, #tpu.memory_space<vmem>>)
      %parallel_loop3A_327 = arith.constant 0 : i32
      %parallel_loop3A_328 = arith.constant 400 : i32
      %parallel_loop3A_329 = arith.constant 1 : i32
      scf.for %parallel_loop3A_447 = %parallel_loop3A_327 to %parallel_loop3A_328 step %parallel_loop3A_329  : i32 {
        %parallel_loop3A_448 = arith.constant 400 : i32
        %parallel_loop3A_449 = arith.addi %parallel_loop3A_448, %parallel_loop3A_447 : i32
        %parallel_loop3A_450 = arith.index_cast %parallel_loop3A_449 : i32 to index
        %parallel_loop3A_451 = arith.constant 0 : index
        %parallel_loop3A_452 = tpu.vector_load %arg6[%parallel_loop3A_450, %parallel_loop3A_451] {strides = array<i32>} : memref<1600x32xf32, #tpu.memory_space<vmem>>, vector<16xf32>,
        %parallel_loop3A_453 = arith.index_cast %parallel_loop3A_447 : i32 to index
        %parallel_loop3A_454 = arith.constant 0 : index
        %parallel_loop3A_455 = tpu.vector_load %arg10[%parallel_loop3A_453, %parallel_loop3A_454] {strides = array<i32>} : memref<400x32xf32, #tpu.memory_space<vmem>>, vector<16xf32>,
        tpu.vector_store %arg10[%parallel_loop3A_453, %parallel_loop3A_454], %parallel_loop3A_452 {add = true, strides = array<i32>} : memref<400x32xf32, #tpu.memory_space<vmem>>, vector<16xf32>,
        %parallel_loop3A_456 = arith.constant 400 : i32
        %parallel_loop3A_457 = arith.addi %parallel_loop3A_456, %parallel_loop3A_447 : i32
        %parallel_loop3A_458 = arith.index_cast %parallel_loop3A_457 : i32 to index
        %parallel_loop3A_459 = arith.constant 16 : index
        %parallel_loop3A_460 = tpu.vector_load %arg6[%parallel_loop3A_458, %parallel_loop3A_459] {strides = array<i32>} : memref<1600x32xf32, #tpu.memory_space<vmem>>, vector<16xf32>,
        %parallel_loop3A_461 = arith.index_cast %parallel_loop3A_447 : i32 to index
        %parallel_loop3A_462 = arith.constant 16 : index
        %parallel_loop3A_463 = tpu.vector_load %arg10[%parallel_loop3A_461, %parallel_loop3A_462] {strides = array<i32>} : memref<400x32xf32, #tpu.memory_space<vmem>>, vector<16xf32>,
        tpu.vector_store %arg10[%parallel_loop3A_461, %parallel_loop3A_462], %parallel_loop3A_460 {add = true, strides = array<i32>} : memref<400x32xf32, #tpu.memory_space<vmem>>, vector<16xf32>,
      } {sc.loop_unroll_factor = 4 : i64, sc.parallel_access}
      %mul3A_330 = arith.constant 4 : i32
      %mul3A_331 = arith.muli %add3A_55, %mul3A_330 : i32
      %add3A_332 = arith.constant 1 : i32
      %add3A_333 = arith.addi %mul3A_331, %add3A_332 : i32
      %mul3A_334 = arith.constant 400 : i32
      %mul3A_335 = arith.muli %add3A_333, %mul3A_334 : i32
      %dma_start3A_336 = arith.constant 0 : i32
      %dma_start3A_337 = tpu.memref_slice %arg5[%mul3A_335, %dma_start3A_336] : memref<1638400x32xf32, #tpu.memory_space<hbm>> -> memref<400x32xf32, #tpu.memory_space<hbm>>
      %dma_start3A_338 = arith.constant 0 : i32
      %dma_start3A_339 = tpu.memref_slice %arg5[%mul3A_335, %dma_start3A_338] : memref<1638400x32xf32, #tpu.memory_space<hbm>> -> memref<400x32xf32, #tpu.memory_space<hbm>>
      tpu.enqueue_dma source(%arg10 : memref<400x32xf32, #tpu.memory_space<vmem>>) target(%dma_start3A_339 : memref<400x32xf32, #tpu.memory_space<hbm>>) target_semaphore(%arg18 : memref<!tpu.dma_semaphore, #tpu.memory_space<semaphore_mem>>)
      %dma_wait3A_340 = arith.constant 0 : i32
      %dma_wait3A_341 = arith.constant 0 : i32
      %dma_wait3A_342 = tpu.memref_slice %arg11[%dma_wait3A_340, %dma_wait3A_341] : memref<400x32xf32, #tpu.memory_space<vmem>> -> memref<80x32xf32, #tpu.memory_space<vmem>>
      %dma_wait3A_343 = arith.constant 800 : i32
      %dma_wait3A_344 = tpu.memref_slice %arg8[%dma_wait3A_343] : memref<1600xi32, #tpu.memory_space<vmem>> -> memref<80xi32, #tpu.memory_space<vmem>>
      %dma_wait3A_345 = arith.constant 0 : i32
      %dma_wait3A_346 = arith.constant 0 : i32
      %dma_wait3A_347 = tpu.memref_slice %arg2[%dma_wait3A_345, %dma_wait3A_346] : memref<800000x32xf32, #tpu.memory_space<hbm>> -> memref<800000x32xf32, #tpu.memory_space<hbm>>
      tpu.wait_indirect_dma semaphore(%arg15 : memref<!tpu.dma_semaphore, #tpu.memory_space<semaphore_mem>>) src(%dma_wait3A_347 : memref<800000x32xf32, #tpu.memory_space<hbm>>) dst(%dma_wait3A_342 : memref<80x32xf32, #tpu.memory_space<vmem>>)
      %dma_wait3A_348 = arith.constant 80 : i32
      %dma_wait3A_349 = arith.constant 0 : i32
      %dma_wait3A_350 = tpu.memref_slice %arg11[%dma_wait3A_348, %dma_wait3A_349] : memref<400x32xf32, #tpu.memory_space<vmem>> -> memref<80x32xf32, #tpu.memory_space<vmem>>
      %dma_wait3A_351 = arith.constant 880 : i32
      %dma_wait3A_352 = tpu.memref_slice %arg8[%dma_wait3A_351] : memref<1600xi32, #tpu.memory_space<vmem>> -> memref<80xi32, #tpu.memory_space<vmem>>
      %dma_wait3A_353 = arith.constant 0 : i32
      %dma_wait3A_354 = arith.constant 0 : i32
      %dma_wait3A_355 = tpu.memref_slice %arg2[%dma_wait3A_353, %dma_wait3A_354] : memref<800000x32xf32, #tpu.memory_space<hbm>> -> memref<800000x32xf32, #tpu.memory_space<hbm>>
      tpu.wait_indirect_dma semaphore(%arg15 : memref<!tpu.dma_semaphore, #tpu.memory_space<semaphore_mem>>) src(%dma_wait3A_355 : memref<800000x32xf32, #tpu.memory_space<hbm>>) dst(%dma_wait3A_350 : memref<80x32xf32, #tpu.memory_space<vmem>>)
      %dma_wait3A_356 = arith.constant 160 : i32
      %dma_wait3A_357 = arith.constant 0 : i32
      %dma_wait3A_358 = tpu.memref_slice %arg11[%dma_wait3A_356, %dma_wait3A_357] : memref<400x32xf32, #tpu.memory_space<vmem>> -> memref<80x32xf32, #tpu.memory_space<vmem>>
      %dma_wait3A_359 = arith.constant 960 : i32
      %dma_wait3A_360 = tpu.memref_slice %arg8[%dma_wait3A_359] : memref<1600xi32, #tpu.memory_space<vmem>> -> memref<80xi32, #tpu.memory_space<vmem>>
      %dma_wait3A_361 = arith.constant 0 : i32
      %dma_wait3A_362 = arith.constant 0 : i32
      %dma_wait3A_363 = tpu.memref_slice %arg2[%dma_wait3A_361, %dma_wait3A_362] : memref<800000x32xf32, #tpu.memory_space<hbm>> -> memref<800000x32xf32, #tpu.memory_space<hbm>>
      tpu.wait_indirect_dma semaphore(%arg15 : memref<!tpu.dma_semaphore, #tpu.memory_space<semaphore_mem>>) src(%dma_wait3A_363 : memref<800000x32xf32, #tpu.memory_space<hbm>>) dst(%dma_wait3A_358 : memref<80x32xf32, #tpu.memory_space<vmem>>)
      %dma_wait3A_364 = arith.constant 240 : i32
      %dma_wait3A_365 = arith.constant 0 : i32
      %dma_wait3A_366 = tpu.memref_slice %arg11[%dma_wait3A_364, %dma_wait3A_365] : memref<400x32xf32, #tpu.memory_space<vmem>> -> memref<80x32xf32, #tpu.memory_space<vmem>>
      %dma_wait3A_367 = arith.constant 1040 : i32
      %dma_wait3A_368 = tpu.memref_slice %arg8[%dma_wait3A_367] : memref<1600xi32, #tpu.memory_space<vmem>> -> memref<80xi32, #tpu.memory_space<vmem>>
      %dma_wait3A_369 = arith.constant 0 : i32
      %dma_wait3A_370 = arith.constant 0 : i32
      %dma_wait3A_371 = tpu.memref_slice %arg2[%dma_wait3A_369, %dma_wait3A_370] : memref<800000x32xf32, #tpu.memory_space<hbm>> -> memref<800000x32xf32, #tpu.memory_space<hbm>>
      tpu.wait_indirect_dma semaphore(%arg15 : memref<!tpu.dma_semaphore, #tpu.memory_space<semaphore_mem>>) src(%dma_wait3A_371 : memref<800000x32xf32, #tpu.memory_space<hbm>>) dst(%dma_wait3A_366 : memref<80x32xf32, #tpu.memory_space<vmem>>)
      %dma_wait3A_372 = arith.constant 320 : i32
      %dma_wait3A_373 = arith.constant 0 : i32
      %dma_wait3A_374 = tpu.memref_slice %arg11[%dma_wait3A_372, %dma_wait3A_373] : memref<400x32xf32, #tpu.memory_space<vmem>> -> memref<80x32xf32, #tpu.memory_space<vmem>>
      %dma_wait3A_375 = arith.constant 1120 : i32
      %dma_wait3A_376 = tpu.memref_slice %arg8[%dma_wait3A_375] : memref<1600xi32, #tpu.memory_space<vmem>> -> memref<80xi32, #tpu.memory_space<vmem>>
      %dma_wait3A_377 = arith.constant 0 : i32
      %dma_wait3A_378 = arith.constant 0 : i32
      %dma_wait3A_379 = tpu.memref_slice %arg2[%dma_wait3A_377, %dma_wait3A_378] : memref<800000x32xf32, #tpu.memory_space<hbm>> -> memref<800000x32xf32, #tpu.memory_space<hbm>>
      tpu.wait_indirect_dma semaphore(%arg15 : memref<!tpu.dma_semaphore, #tpu.memory_space<semaphore_mem>>) src(%dma_wait3A_379 : memref<800000x32xf32, #tpu.memory_space<hbm>>) dst(%dma_wait3A_374 : memref<80x32xf32, #tpu.memory_space<vmem>>)
      %parallel_loop3A_380 = arith.constant 0 : i32
      %parallel_loop3A_381 = arith.constant 400 : i32
      %parallel_loop3A_382 = arith.constant 1 : i32
      scf.for %parallel_loop3A_447 = %parallel_loop3A_380 to %parallel_loop3A_381 step %parallel_loop3A_382  : i32 {
        %parallel_loop3A_448 = arith.constant 800 : i32
        %parallel_loop3A_449 = arith.addi %parallel_loop3A_448, %parallel_loop3A_447 : i32
        %parallel_loop3A_450 = arith.index_cast %parallel_loop3A_449 : i32 to index
        %parallel_loop3A_451 = arith.constant 0 : index
        %parallel_loop3A_452 = tpu.vector_load %arg6[%parallel_loop3A_450, %parallel_loop3A_451] {strides = array<i32>} : memref<1600x32xf32, #tpu.memory_space<vmem>>, vector<16xf32>,
        %parallel_loop3A_453 = arith.index_cast %parallel_loop3A_447 : i32 to index
        %parallel_loop3A_454 = arith.constant 0 : index
        %parallel_loop3A_455 = tpu.vector_load %arg11[%parallel_loop3A_453, %parallel_loop3A_454] {strides = array<i32>} : memref<400x32xf32, #tpu.memory_space<vmem>>, vector<16xf32>,
        tpu.vector_store %arg11[%parallel_loop3A_453, %parallel_loop3A_454], %parallel_loop3A_452 {add = true, strides = array<i32>} : memref<400x32xf32, #tpu.memory_space<vmem>>, vector<16xf32>,
        %parallel_loop3A_456 = arith.constant 800 : i32
        %parallel_loop3A_457 = arith.addi %parallel_loop3A_456, %parallel_loop3A_447 : i32
        %parallel_loop3A_458 = arith.index_cast %parallel_loop3A_457 : i32 to index
        %parallel_loop3A_459 = arith.constant 16 : index
        %parallel_loop3A_460 = tpu.vector_load %arg6[%parallel_loop3A_458, %parallel_loop3A_459] {strides = array<i32>} : memref<1600x32xf32, #tpu.memory_space<vmem>>, vector<16xf32>,
        %parallel_loop3A_461 = arith.index_cast %parallel_loop3A_447 : i32 to index
        %parallel_loop3A_462 = arith.constant 16 : index
        %parallel_loop3A_463 = tpu.vector_load %arg11[%parallel_loop3A_461, %parallel_loop3A_462] {strides = array<i32>} : memref<400x32xf32, #tpu.memory_space<vmem>>, vector<16xf32>,
        tpu.vector_store %arg11[%parallel_loop3A_461, %parallel_loop3A_462], %parallel_loop3A_460 {add = true, strides = array<i32>} : memref<400x32xf32, #tpu.memory_space<vmem>>, vector<16xf32>,
      } {sc.loop_unroll_factor = 4 : i64, sc.parallel_access}
      %mul3A_383 = arith.constant 4 : i32
      %mul3A_384 = arith.muli %add3A_55, %mul3A_383 : i32
      %add3A_385 = arith.constant 2 : i32
      %add3A_386 = arith.addi %mul3A_384, %add3A_385 : i32
      %mul3A_387 = arith.constant 400 : i32
      %mul3A_388 = arith.muli %add3A_386, %mul3A_387 : i32
      %dma_start3A_389 = arith.constant 0 : i32
      %dma_start3A_390 = tpu.memref_slice %arg5[%mul3A_388, %dma_start3A_389] : memref<1638400x32xf32, #tpu.memory_space<hbm>> -> memref<400x32xf32, #tpu.memory_space<hbm>>
      %dma_start3A_391 = arith.constant 0 : i32
      %dma_start3A_392 = tpu.memref_slice %arg5[%mul3A_388, %dma_start3A_391] : memref<1638400x32xf32, #tpu.memory_space<hbm>> -> memref<400x32xf32, #tpu.memory_space<hbm>>
      tpu.enqueue_dma source(%arg11 : memref<400x32xf32, #tpu.memory_space<vmem>>) target(%dma_start3A_392 : memref<400x32xf32, #tpu.memory_space<hbm>>) target_semaphore(%arg19 : memref<!tpu.dma_semaphore, #tpu.memory_space<semaphore_mem>>)
      %dma_wait3A_393 = arith.constant 0 : i32
      %dma_wait3A_394 = arith.constant 0 : i32
      %dma_wait3A_395 = tpu.memref_slice %arg12[%dma_wait3A_393, %dma_wait3A_394] : memref<400x32xf32, #tpu.memory_space<vmem>> -> memref<80x32xf32, #tpu.memory_space<vmem>>
      %dma_wait3A_396 = arith.constant 1200 : i32
      %dma_wait3A_397 = tpu.memref_slice %arg8[%dma_wait3A_396] : memref<1600xi32, #tpu.memory_space<vmem>> -> memref<80xi32, #tpu.memory_space<vmem>>
      %dma_wait3A_398 = arith.constant 0 : i32
      %dma_wait3A_399 = arith.constant 0 : i32
      %dma_wait3A_400 = tpu.memref_slice %arg2[%dma_wait3A_398, %dma_wait3A_399] : memref<800000x32xf32, #tpu.memory_space<hbm>> -> memref<800000x32xf32, #tpu.memory_space<hbm>>
      tpu.wait_indirect_dma semaphore(%arg16 : memref<!tpu.dma_semaphore, #tpu.memory_space<semaphore_mem>>) src(%dma_wait3A_400 : memref<800000x32xf32, #tpu.memory_space<hbm>>) dst(%dma_wait3A_395 : memref<80x32xf32, #tpu.memory_space<vmem>>)
      %dma_wait3A_401 = arith.constant 80 : i32
      %dma_wait3A_402 = arith.constant 0 : i32
      %dma_wait3A_403 = tpu.memref_slice %arg12[%dma_wait3A_401, %dma_wait3A_402] : memref<400x32xf32, #tpu.memory_space<vmem>> -> memref<80x32xf32, #tpu.memory_space<vmem>>
      %dma_wait3A_404 = arith.constant 1280 : i32
      %dma_wait3A_405 = tpu.memref_slice %arg8[%dma_wait3A_404] : memref<1600xi32, #tpu.memory_space<vmem>> -> memref<80xi32, #tpu.memory_space<vmem>>
      %dma_wait3A_406 = arith.constant 0 : i32
      %dma_wait3A_407 = arith.constant 0 : i32
      %dma_wait3A_408 = tpu.memref_slice %arg2[%dma_wait3A_406, %dma_wait3A_407] : memref<800000x32xf32, #tpu.memory_space<hbm>> -> memref<800000x32xf32, #tpu.memory_space<hbm>>
      tpu.wait_indirect_dma semaphore(%arg16 : memref<!tpu.dma_semaphore, #tpu.memory_space<semaphore_mem>>) src(%dma_wait3A_408 : memref<800000x32xf32, #tpu.memory_space<hbm>>) dst(%dma_wait3A_403 : memref<80x32xf32, #tpu.memory_space<vmem>>)
      %dma_wait3A_409 = arith.constant 160 : i32
      %dma_wait3A_410 = arith.constant 0 : i32
      %dma_wait3A_411 = tpu.memref_slice %arg12[%dma_wait3A_409, %dma_wait3A_410] : memref<400x32xf32, #tpu.memory_space<vmem>> -> memref<80x32xf32, #tpu.memory_space<vmem>>
      %dma_wait3A_412 = arith.constant 1360 : i32
      %dma_wait3A_413 = tpu.memref_slice %arg8[%dma_wait3A_412] : memref<1600xi32, #tpu.memory_space<vmem>> -> memref<80xi32, #tpu.memory_space<vmem>>
      %dma_wait3A_414 = arith.constant 0 : i32
      %dma_wait3A_415 = arith.constant 0 : i32
      %dma_wait3A_416 = tpu.memref_slice %arg2[%dma_wait3A_414, %dma_wait3A_415] : memref<800000x32xf32, #tpu.memory_space<hbm>> -> memref<800000x32xf32, #tpu.memory_space<hbm>>
      tpu.wait_indirect_dma semaphore(%arg16 : memref<!tpu.dma_semaphore, #tpu.memory_space<semaphore_mem>>) src(%dma_wait3A_416 : memref<800000x32xf32, #tpu.memory_space<hbm>>) dst(%dma_wait3A_411 : memref<80x32xf32, #tpu.memory_space<vmem>>)
      %dma_wait3A_417 = arith.constant 240 : i32
      %dma_wait3A_418 = arith.constant 0 : i32
      %dma_wait3A_419 = tpu.memref_slice %arg12[%dma_wait3A_417, %dma_wait3A_418] : memref<400x32xf32, #tpu.memory_space<vmem>> -> memref<80x32xf32, #tpu.memory_space<vmem>>
      %dma_wait3A_420 = arith.constant 1440 : i32
      %dma_wait3A_421 = tpu.memref_slice %arg8[%dma_wait3A_420] : memref<1600xi32, #tpu.memory_space<vmem>> -> memref<80xi32, #tpu.memory_space<vmem>>
      %dma_wait3A_422 = arith.constant 0 : i32
      %dma_wait3A_423 = arith.constant 0 : i32
      %dma_wait3A_424 = tpu.memref_slice %arg2[%dma_wait3A_422, %dma_wait3A_423] : memref<800000x32xf32, #tpu.memory_space<hbm>> -> memref<800000x32xf32, #tpu.memory_space<hbm>>
      tpu.wait_indirect_dma semaphore(%arg16 : memref<!tpu.dma_semaphore, #tpu.memory_space<semaphore_mem>>) src(%dma_wait3A_424 : memref<800000x32xf32, #tpu.memory_space<hbm>>) dst(%dma_wait3A_419 : memref<80x32xf32, #tpu.memory_space<vmem>>)
      %dma_wait3A_425 = arith.constant 320 : i32
      %dma_wait3A_426 = arith.constant 0 : i32
      %dma_wait3A_427 = tpu.memref_slice %arg12[%dma_wait3A_425, %dma_wait3A_426] : memref<400x32xf32, #tpu.memory_space<vmem>> -> memref<80x32xf32, #tpu.memory_space<vmem>>
      %dma_wait3A_428 = arith.constant 1520 : i32
      %dma_wait3A_429 = tpu.memref_slice %arg8[%dma_wait3A_428] : memref<1600xi32, #tpu.memory_space<vmem>> -> memref<80xi32, #tpu.memory_space<vmem>>
      %dma_wait3A_430 = arith.constant 0 : i32
      %dma_wait3A_431 = arith.constant 0 : i32
      %dma_wait3A_432 = tpu.memref_slice %arg2[%dma_wait3A_430, %dma_wait3A_431] : memref<800000x32xf32, #tpu.memory_space<hbm>> -> memref<800000x32xf32, #tpu.memory_space<hbm>>
      tpu.wait_indirect_dma semaphore(%arg16 : memref<!tpu.dma_semaphore, #tpu.memory_space<semaphore_mem>>) src(%dma_wait3A_432 : memref<800000x32xf32, #tpu.memory_space<hbm>>) dst(%dma_wait3A_427 : memref<80x32xf32, #tpu.memory_space<vmem>>)
      %parallel_loop3A_433 = arith.constant 0 : i32
      %parallel_loop3A_434 = arith.constant 400 : i32
      %parallel_loop3A_435 = arith.constant 1 : i32
      scf.for %parallel_loop3A_447 = %parallel_loop3A_433 to %parallel_loop3A_434 step %parallel_loop3A_435  : i32 {
        %parallel_loop3A_448 = arith.constant 1200 : i32
        %parallel_loop3A_449 = arith.addi %parallel_loop3A_448, %parallel_loop3A_447 : i32
        %parallel_loop3A_450 = arith.index_cast %parallel_loop3A_449 : i32 to index
        %parallel_loop3A_451 = arith.constant 0 : index
        %parallel_loop3A_452 = tpu.vector_load %arg6[%parallel_loop3A_450, %parallel_loop3A_451] {strides = array<i32>} : memref<1600x32xf32, #tpu.memory_space<vmem>>, vector<16xf32>,
        %parallel_loop3A_453 = arith.index_cast %parallel_loop3A_447 : i32 to index
        %parallel_loop3A_454 = arith.constant 0 : index
        %parallel_loop3A_455 = tpu.vector_load %arg12[%parallel_loop3A_453, %parallel_loop3A_454] {strides = array<i32>} : memref<400x32xf32, #tpu.memory_space<vmem>>, vector<16xf32>,
        tpu.vector_store %arg12[%parallel_loop3A_453, %parallel_loop3A_454], %parallel_loop3A_452 {add = true, strides = array<i32>} : memref<400x32xf32, #tpu.memory_space<vmem>>, vector<16xf32>,
        %parallel_loop3A_456 = arith.constant 1200 : i32
        %parallel_loop3A_457 = arith.addi %parallel_loop3A_456, %parallel_loop3A_447 : i32
        %parallel_loop3A_458 = arith.index_cast %parallel_loop3A_457 : i32 to index
        %parallel_loop3A_459 = arith.constant 16 : index
        %parallel_loop3A_460 = tpu.vector_load %arg6[%parallel_loop3A_458, %parallel_loop3A_459] {strides = array<i32>} : memref<1600x32xf32, #tpu.memory_space<vmem>>, vector<16xf32>,
        %parallel_loop3A_461 = arith.index_cast %parallel_loop3A_447 : i32 to index
        %parallel_loop3A_462 = arith.constant 16 : index
        %parallel_loop3A_463 = tpu.vector_load %arg12[%parallel_loop3A_461, %parallel_loop3A_462] {strides = array<i32>} : memref<400x32xf32, #tpu.memory_space<vmem>>, vector<16xf32>,
        tpu.vector_store %arg12[%parallel_loop3A_461, %parallel_loop3A_462], %parallel_loop3A_460 {add = true, strides = array<i32>} : memref<400x32xf32, #tpu.memory_space<vmem>>, vector<16xf32>,
      } {sc.loop_unroll_factor = 4 : i64, sc.parallel_access}
      %mul3A_436 = arith.constant 4 : i32
      %mul3A_437 = arith.muli %add3A_55, %mul3A_436 : i32
      %add3A_438 = arith.constant 3 : i32
      %add3A_439 = arith.addi %mul3A_437, %add3A_438 : i32
      %mul3A_440 = arith.constant 400 : i32
      %mul3A_441 = arith.muli %add3A_439, %mul3A_440 : i32
      %dma_start3A_442 = arith.constant 0 : i32
      %dma_start3A_443 = tpu.memref_slice %arg5[%mul3A_441, %dma_start3A_442] : memref<1638400x32xf32, #tpu.memory_space<hbm>> -> memref<400x32xf32, #tpu.memory_space<hbm>>
      %dma_start3A_444 = arith.constant 0 : i32
      %dma_start3A_445 = tpu.memref_slice %arg5[%mul3A_441, %dma_start3A_444] : memref<1638400x32xf32, #tpu.memory_space<hbm>> -> memref<400x32xf32, #tpu.memory_space<hbm>>
      tpu.enqueue_dma source(%arg12 : memref<400x32xf32, #tpu.memory_space<vmem>>) target(%dma_start3A_445 : memref<400x32xf32, #tpu.memory_space<hbm>>) target_semaphore(%arg20 : memref<!tpu.dma_semaphore, #tpu.memory_space<semaphore_mem>>)
      %scan3A_446 = arith.constant 0 : i32
      scf.yield %scan3A_446 : i32
    }
    %scan3A_6 = arith.constant 32 : i32
    %mul3A_7 = arith.constant 32 : i32
    %mul3A_8 = arith.muli %add3A, %mul3A_7 : i32
    %add3A_9 = arith.constant 32 : i32
    %add3A_10 = arith.addi %mul3A_8, %add3A_9 : i32
    %sub3A = arith.constant 1 : i32
    %sub3A_11 = arith.subi %add3A_10, %sub3A : i32
    %mul3A_12 = arith.constant 4 : i32
    %mul3A_13 = arith.muli %sub3A_11, %mul3A_12 : i32
    %add3A_14 = arith.constant 0 : i32
    %add3A_15 = arith.addi %mul3A_13, %add3A_14 : i32
    %mul3A_16 = arith.constant 400 : i32
    %mul3A_17 = arith.muli %add3A_15, %mul3A_16 : i32
    %dma_wait3A = arith.constant 0 : i32
    %dma_wait3A_18 = tpu.memref_slice %arg5[%mul3A_17, %dma_wait3A] : memref<1638400x32xf32, #tpu.memory_space<hbm>> -> memref<400x32xf32, #tpu.memory_space<hbm>>
    %dma_wait3A_19 = arith.constant 0 : i32
    %dma_wait3A_20 = tpu.memref_slice %arg5[%mul3A_17, %dma_wait3A_19] : memref<1638400x32xf32, #tpu.memory_space<hbm>> -> memref<400x32xf32, #tpu.memory_space<hbm>>
    tpu.wait_dma2 semaphore(%arg17 : memref<!tpu.dma_semaphore, #tpu.memory_space<semaphore_mem>>) src(%arg9 : memref<400x32xf32, #tpu.memory_space<vmem>>) dst(%dma_wait3A_20 : memref<400x32xf32, #tpu.memory_space<hbm>>)
    %mul3A_21 = arith.constant 4 : i32
    %mul3A_22 = arith.muli %sub3A_11, %mul3A_21 : i32
    %add3A_23 = arith.constant 1 : i32
    %add3A_24 = arith.addi %mul3A_22, %add3A_23 : i32
    %mul3A_25 = arith.constant 400 : i32
    %mul3A_26 = arith.muli %add3A_24, %mul3A_25 : i32
    %dma_wait3A_27 = arith.constant 0 : i32
    %dma_wait3A_28 = tpu.memref_slice %arg5[%mul3A_26, %dma_wait3A_27] : memref<1638400x32xf32, #tpu.memory_space<hbm>> -> memref<400x32xf32, #tpu.memory_space<hbm>>
    %dma_wait3A_29 = arith.constant 0 : i32
    %dma_wait3A_30 = tpu.memref_slice %arg5[%mul3A_26, %dma_wait3A_29] : memref<1638400x32xf32, #tpu.memory_space<hbm>> -> memref<400x32xf32, #tpu.memory_space<hbm>>
    tpu.wait_dma2 semaphore(%arg18 : memref<!tpu.dma_semaphore, #tpu.memory_space<semaphore_mem>>) src(%arg10 : memref<400x32xf32, #tpu.memory_space<vmem>>) dst(%dma_wait3A_30 : memref<400x32xf32, #tpu.memory_space<hbm>>)
    %mul3A_31 = arith.constant 4 : i32
    %mul3A_32 = arith.muli %sub3A_11, %mul3A_31 : i32
    %add3A_33 = arith.constant 2 : i32
    %add3A_34 = arith.addi %mul3A_32, %add3A_33 : i32
    %mul3A_35 = arith.constant 400 : i32
    %mul3A_36 = arith.muli %add3A_34, %mul3A_35 : i32
    %dma_wait3A_37 = arith.constant 0 : i32
    %dma_wait3A_38 = tpu.memref_slice %arg5[%mul3A_36, %dma_wait3A_37] : memref<1638400x32xf32, #tpu.memory_space<hbm>> -> memref<400x32xf32, #tpu.memory_space<hbm>>
    %dma_wait3A_39 = arith.constant 0 : i32
    %dma_wait3A_40 = tpu.memref_slice %arg5[%mul3A_36, %dma_wait3A_39] : memref<1638400x32xf32, #tpu.memory_space<hbm>> -> memref<400x32xf32, #tpu.memory_space<hbm>>
    tpu.wait_dma2 semaphore(%arg19 : memref<!tpu.dma_semaphore, #tpu.memory_space<semaphore_mem>>) src(%arg11 : memref<400x32xf32, #tpu.memory_space<vmem>>) dst(%dma_wait3A_40 : memref<400x32xf32, #tpu.memory_space<hbm>>)
    %mul3A_41 = arith.constant 4 : i32
    %mul3A_42 = arith.muli %sub3A_11, %mul3A_41 : i32
    %add3A_43 = arith.constant 3 : i32
    %add3A_44 = arith.addi %mul3A_42, %add3A_43 : i32
    %mul3A_45 = arith.constant 400 : i32
    %mul3A_46 = arith.muli %add3A_44, %mul3A_45 : i32
    %dma_wait3A_47 = arith.constant 0 : i32
    %dma_wait3A_48 = tpu.memref_slice %arg5[%mul3A_46, %dma_wait3A_47] : memref<1638400x32xf32, #tpu.memory_space<hbm>> -> memref<400x32xf32, #tpu.memory_space<hbm>>
    %dma_wait3A_49 = arith.constant 0 : i32
    %dma_wait3A_50 = tpu.memref_slice %arg5[%mul3A_46, %dma_wait3A_49] : memref<1638400x32xf32, #tpu.memory_space<hbm>> -> memref<400x32xf32, #tpu.memory_space<hbm>>
    tpu.wait_dma2 semaphore(%arg20 : memref<!tpu.dma_semaphore, #tpu.memory_space<semaphore_mem>>) src(%arg12 : memref<400x32xf32, #tpu.memory_space<vmem>>) dst(%dma_wait3A_50 : memref<400x32xf32, #tpu.memory_space<hbm>>)
    return
  }
}

</mosaic_0001>

<sc_bundles>
// kernel: kernel.3.cloned.1.call-start
scs
__scs_entry_jumppad:
0x0: {  	(pc) =	sbr.rel $0x88, $3  }
0x1: {  	(tag) =	ssettag $0x0;
	lr =	simm.s32 $0x1  }
0x2: {  	[smem:$0x3F9F] =	sst lr;
	_ =	strace $0xD0000000  }
0x3: {  	_ = 	snop  }
0x4: {  	_ = 	snop  }
0x5: {  	_ = 	snop  }
0x6: {  	_ = 	snop  }
0x7: {  	_ = 	snop  }
__scs_overlays_trampoline_lowered:
0x8: {  	[smem:$0x3FAE] =	sst s0  }
0x9: {  	[smem:$0x3FAF] =	sst s1  }
0xa: {  	[smem:$0x3FB0] =	sst s2  }
0xb: {  	[smem:$0x3FB1] =	sst s3  }
0xc: {  	[smem:$0x3FB2] =	sst s4  }
0xd: {  	[smem:$0x3FB3] =	sst s5  }
0xe: {  	[smem:$0x3FB4] =	sst s6  }
0xf: {  	[smem:$0x3FB5] =	sst s7  }
0x10: {  	[smem:$0x3FB6] =	sst s8  }
0x11: {  	[smem:$0x3FB7] =	sst s9;
	s0 =	simm.s32 @!p0 $0x0  }
0x12: {  	s1 =	sld [smem:$0x3F9D];
	s0 =	simm.s32 @p0 $0x1  }
0x13: {  	[smem:$0x3FB8] =	sst s0;
	s0 =	simm.s32 @!p1 $0x0  }
0x14: {  	s2 =	sld [smem:$0x3F9C];
	s0 =	simm.s32 @p1 $0x1  }
0x15: {  	[smem:$0x3FB9] =	sst s0;
	s0 =	simm.s32 @!p2 $0x0  }
0x16: {  	s3 =	sld [smem:$0x3FDB];
	s0 =	simm.s32 @p2 $0x1  }
0x17: {  	s4 =	simm.s32 $0x1BF5;
	[smem:$0x3FBB] =	sst s0  }
0x18: {  	s0 =	sld [smem:$0x3F9E];
	_ =	swait.ge [sflag:s4], $0x0  }
0x19: {  	s7 =	sld [smem:$0x3F9F]  }
0x1a: {  	s8 =	sadd.s32 $0xFFFFE003, lr  }
0x1b: {  	s9 =	sadd.s32 $0xFFFFFEF7, lr;
	s5 =	simm.s32 $0xFFFFFFFF;
	p2 =	slt.u32 s8, $0xFFFFF086  }
0x1c: {  	p1 =	slt.u32 s9, $0xF7A;
	s5 =	simm.s32 @!p2 $0x0  }
0x1d: {  	s5 =	simm.s32 @p1 $0x1;
	p0 =	seq.s32 s7, s2  }
0x1e: {  	s7 =	smul.u32 @!p0 $0xF7A, s2;
	p2 =	seq.s32 @!p0 s5, $0x0  }
0x1f: {  	s9 =	smul.u32 $0xF7A, s1;
	s8 =	simm.s32 @!p0 $0x1BF5;
	p2 =	por !p2, p0  }
0x20: {  	[sflag:s8] =	ssyncset.s32 @!p0 $0xFFFFF086;
	s6 =	sadd.s32 @!p0 s3, s7;
	s7 =	simm.s32 @!p0 $0x108  }
0x21: {  	s3 =	sadd.s32 s3, s9;
	s6 =	sadd.s32 @!p0 $0x88, s6;
	s7 =	simm.s32 @p2 $0x1082  }
0x22: {  	[simem:s7], [sflag:s8] =	dma.local @!p0 [hbm:s6], $0xF7A  }
0x23: {  	s9 =	sor.u32 $0xD0000000, s2;
	s6 =	simm.s32 $0x108;
	_ =	swait.ge @!p0 [sflag:s8], $0x0  }
0x24: {  	s3 =	sadd.s32 $0x88, s3;
	s6 =	simm.s32 @!p1 $0x1082;
	[sflag:s4] =	ssyncset.s32 $0xFFFFF086  }
0x25: {  	[simem:s6], [sflag:s4] =	dma.local [hbm:s3], $0xF7A  }
0x26: {  	[smem:$0x3F9F] =	sst s1;
	(tag) =	ssettag s2;
	_ =	strace s9  }
0x27: {  	s1 =	sld [smem:$0x3FAF]  }
0x28: {  	s2 =	sld [smem:$0x3FB0]  }
0x29: {  	s4 =	sld [smem:$0x3FB2]  }
0x2a: {  	p0 =	seq.s32 s5, $0x0;
	s5 =	sld [smem:$0x3FB3]  }
0x2b: {  	s6 =	sld [smem:$0x3FB4]  }
0x2c: {  	s7 =	sld [smem:$0x3FB5]  }
0x2d: {  	s3 =	simm.s32 $0x108;
	s8 =	sld [smem:$0x3FB6]  }
0x2e: {  	s3 =	simm.s32 @!p0 $0x1082;
	s9 =	sld [smem:$0x3FB7]  }
0x2f: {  	lr =	sadd.s32 s0, s3;
	s0 =	sld [smem:$0x3FAE]  }
0x30: {  	s3 =	sld [smem:$0x3FB1]  }
0x31: {  	[smem:$0x3FBA] =	sst s10  }
0x32: {  	s10 =	sld [smem:$0x3FB8];
	_ =	sdelay $0x3  }
0x33: {  	p0 =	seq.s32 s10, $0x1;
	s10 =	sld [smem:$0x3FBA];
	_ =	sdelay $0x3  }
0x34: {  	[smem:$0x3FBA] =	sst s10  }
0x35: {  	s10 =	sld [smem:$0x3FB9];
	_ =	sdelay $0x3  }
0x36: {  	p1 =	seq.s32 s10, $0x1;
	s10 =	sld [smem:$0x3FBA];
	_ =	sdelay $0x3  }
0x37: {  	[smem:$0x3FBA] =	sst s10  }
0x38: {  	s10 =	sld [smem:$0x3FBB]  }
0x39: {  	_ = 	snop;
	(pc) =	sbr.ind lr, $3  }
0x3a: {  	_ = 	snop  }
0x3b: {  	_ = 	snop  }
0x3c: {  	p2 =	seq.s32 s10, $0x1;
	s10 =	sld [smem:$0x3FBA]  }
0x3d: {  	_ =	shalt  }
0x3e: {  	_ =	shalt  }
0x3f: {  	_ =	shalt  }
0x40: {  	_ =	shalt  }
0x41: {  	_ =	shalt  }
0x42: {  	_ =	shalt  }
0x43: {  	_ =	shalt  }
0x44: {  	_ =	shalt  }
0x45: {  	_ =	shalt  }
0x46: {  	_ =	shalt  }
0x47: {  	_ =	shalt  }
0x48: {  	_ =	shalt  }
0x49: {  	_ =	shalt  }
0x4a: {  	_ =	shalt  }
0x4b: {  	_ =	shalt  }
0x4c: {  	_ =	shalt  }
0x4d: {  	_ =	shalt  }
0x4e: {  	_ =	shalt  }
0x4f: {  	_ =	shalt  }
0x50: {  	_ =	shalt  }
0x51: {  	_ =	shalt  }
0x52: {  	_ =	shalt  }
0x53: {  	_ =	shalt  }
0x54: {  	_ =	shalt  }
0x55: {  	_ =	shalt  }
0x56: {  	_ =	shalt  }
0x57: {  	_ =	shalt  }
0x58: {  	_ =	shalt  }
0x59: {  	_ =	shalt  }
0x5a: {  	_ =	shalt  }
0x5b: {  	_ =	shalt  }
0x5c: {  	_ =	shalt  }
0x5d: {  	_ =	shalt  }
0x5e: {  	_ =	shalt  }
0x5f: {  	_ =	shalt  }
0x60: {  	_ =	shalt  }
0x61: {  	_ =	shalt  }
0x62: {  	_ =	shalt  }
0x63: {  	_ =	shalt  }
0x64: {  	_ =	shalt  }
0x65: {  	_ =	shalt  }
0x66: {  	_ =	shalt  }
0x67: {  	_ =	shalt  }
0x68: {  	_ =	shalt  }
0x69: {  	_ =	shalt  }
0x6a: {  	_ =	shalt  }
0x6b: {  	_ =	shalt  }
0x6c: {  	_ =	shalt  }
0x6d: {  	_ =	shalt  }
0x6e: {  	_ =	shalt  }
0x6f: {  	_ =	shalt  }
0x70: {  	_ =	shalt  }
0x71: {  	_ =	shalt  }
0x72: {  	_ =	shalt  }
0x73: {  	_ =	shalt  }
0x74: {  	_ =	shalt  }
0x75: {  	_ =	shalt  }
0x76: {  	_ =	shalt  }
0x77: {  	_ =	shalt  }
0x78: {  	_ =	shalt  }
0x79: {  	_ =	shalt  }
0x7a: {  	_ =	shalt  }
0x7b: {  	_ =	shalt  }
0x7c: {  	_ =	shalt  }
0x7d: {  	_ =	shalt  }
0x7e: {  	_ =	shalt  }
0x7f: {  	_ =	shalt  }
0x80: {  	_ =	shalt  }
0x81: {  	_ =	shalt  }
0x82: {  	_ =	shalt  }
0x83: {  	_ =	shalt  }
0x84: {  	_ =	shalt  }
0x85: {  	_ =	shalt  }
0x86: {  	_ =	shalt  }
0x87: {  	_ =	shalt  }
.Lfunc_end0:
.L_simem_size_0:
called_computation_lowered:
.L_overlay_start_0:
0x88: {  	s2 =	sld [smem:$0x3FD9]  }
0x89: {  	s3 =	sld [smem:$0x3FFE];
	_ =	sdelay $0x1  }
0x8a: {  	s1 =	srdreg.scid  }
0x8b: {  	s0 =	sand.u32 $0x1, s1  }
0x8c: {  	s17 =	sshll.u32 s0, $0xA;
	s2 =	sadd.s32 s3, s2  }
0x8d: {  	s2 =	sadd.s32 s2, s17  }
0x8e: {  	[smem:$0x3FC6] =	sst s2  }
0x8f: {  	_ = 	snop  }
0x90: {  	s2 =	sld [smem:$0x3FD0];
	(tm) =	ssettm $0x1  }
0x91: {  	s18 =	sld [smem:$0x3FFB];
	_ =	sdelay $0x3  }
0x92: {  	_ =	strace s18  }
0x93: {  	s3 =	sld [smem:$0x3FFC];
	_ =	sdelay $0x3  }
0x94: {  	_ =	strace s3  }
0x95: {  	s3 =	sld [smem:$0x3FFD];
	_ =	sdelay $0x3  }
0x96: {  	_ =	strace s3  }
0x97: {  	_ =	strace $0x8FFFFFFF  }
0x98: {  	s19 =	sld [smem:$0x3FDB];
	_ =	sdelay $0x1  }
0x99: {  	s4 =	simm.s32 $_scs_section_size  }
0x9a: {  	s5 =	simm.s32 $_size__tile_overlayer_lowered;
	s6 =	simm.s32 $_tile_overlayer_lowered  }
0x9b: {  	s22 =	simm.s32 $0x1BFF;
	s21 =	sshll.u32 s6, $0x1;
	s3 =	sadd.s32 s4, s19  }
0x9c: {  	s7 =	simm.s32 $0x0;
	s20 =	sshll.u32 s5, $0x1;
	s5 =	sadd.s32 s21, s3  }
0x9d: {  	[timem:s7], [sflag:s22] =	dma.local [hbm:s5], s20  }
0x9e: {  	_ =	swait.ge [sflag:s22], s20  }
0x9f: {  	s4 =	ssub.s32 $0x0, s20;
	[sflag:s22] =	ssyncset.done $0x0  }
0xa0: {  	[sflag:s22] =	ssyncadd.s32 s4;
	_ =	sdelay $0x1  }
0xa1: {  	s23 =	simm.s32 $0x1B8B  }
0xa2: {  	_ =	swait.ge [sflag:s23], $0x1  }
0xa3: {  	[sflag:s23] =	ssyncset.done $0x0  }
0xa4: {  	s25 =	simm.s32 $0x1B8E;
	s24 =	sld [smem:$0x3FFE];
	[sflag:s23] =	ssyncadd.s32 $0xFFFFFFFF  }
0xa5: {  	s26 =	simm.s32 $execute0_lowered;
	[smem:$0x3FD2] =	sst s25  }
0xa6: {  	s5 =	sshll.u32 s26, $0x1;
	_ =	strace $0x80000046;
	[dreg:$0x1] =	wrdreg $0xFFFFFFFF  }
0xa7: {  	s28 =	simm.s32 $_size_execute0_lowered;
	s3 =	sadd.s32 s3, s5;
	[dreg:$0x0] =	wrdreg $0x0  }
0xa8: {  	s5 =	sshll.u32 s28, $0x1;
	[dreg:$0x2] =	wrdreg s3  }
0xa9: {  	[dreg:$0x3] =	wrdreg s5  }
0xaa: {  	[dreg:$0x4] =	wrdreg $0xC0  }
0xab: {  	_ =	task [dreg:s7], $0x5FFFF  }
0xac: {  	[dreg:$0x1] =	wrdreg $0xFFFFFFFF  }
0xad: {  	[dreg:$0x0] =	wrdreg $0x60  }
0xae: {  	[dreg:$0x2] =	wrdreg s2  }
0xaf: {  	[dreg:$0x3] =	wrdreg s24  }
0xb0: {  	[dreg:$0x4] =	wrdreg $0x9  }
0xb1: {  	_ =	task.clear_ibuf [dreg:s7], $0x5FFFF;
	_ =	strace $0x90000046  }
0xb2: {  	s29 =	simm.s32 $0x9;
	_ =	strace $0x80000048  }
0xb3: {  	_ =	swait.ge [sflag:s29], $0x1  }
0xb4: {  	[sflag:s29] =	ssyncadd.s32 $0xFFFFFFFF  }
0xb5: {  	_ =	strace $0x90000048  }
0xb6: {  	_ =	sfence  }
0xb7: {  	s30 =	sld [smem:$0x0];
	_ =	sdelay $0x2  }
0xb8: {  	s31 =	sshll.u32 s1, $0xD;
	s1 =	sshrl.u32 s1, $0x2  }
0xb9: {  	s3 =	sand.u32 $0x4000, s31;
	s1 =	sadd.s32 s1, s30  }
0xba: {  	s0 =	sor.u32 s3, s0;
	s1 =	sshll.u32 s1, $0x11  }
0xbb: {  	s0 =	sor.u32 s1, s0  }
0xbc: {  	s0 =	sadd.s32 $0x8F2B, s0  }
0xbd: {  	[sflag:s0] =	ssyncadd.remote.s32 $0x1  }
0xbe: {  	_ =	sfence.sel $0xFFFF  }
0xbf: {  	[dreg:$0x0] =	wrdreg $0xFFFFFFFF;
	(pc) =	sbr.abs _section_cstart, $3  }
0xc0: {  	[dreg:$0x1] =	wrdreg $0xFFFFFFFF  }
0xc1: {  	_ =	task.clear_ibuf [dreg:s7], $0x2FFFF;
	_ =	strace $0x9FFFFFFF  }
0xc2: {  	(tm) =	ssettm $0x7FFFFFFF  }
0xc3: {  	_ =	shalt  }
tec
execute0_lowered:
.L_overlay_start_1:
0x0: {  	(tag) =	ssettag $0x1  }
0x1: {  	s1 =	rddreg [dreg:$0x0]  }
0x2: {  	s0 =	rddreg [dreg:$0x1];
	s2 =	simm.s32 $0x0;
	s23 =	srdreg.scid  }
0x3: {  	s5 =	stileid.u32;
	s9 =	simm.s32 $0x9;
	s10 =	simm.s32 $0xC800  }
0x4: {  	s11 =	simm.s32 $0x50;
	s13 =	simm.s32 $0x10680;
	s28 =	simm.s32 $0x17E80  }
0x5: {  	s29 =	simm.s32 $0xD3E0;
	s30 =	simm.s32 $0x18880;
	s31 =	simm.s32 $0xD430  }
0x6: {  	s8 =	simm.s32 $0x2;
	s12 =	simm.s32 $0x3;
	s14 =	simm.s32 $0x13880  }
0x7: {  	s17 =	simm.s32 $0x0;
	[smem:$0x7FF] =	sst s2;
	s2 =	sand.u32 $0x1, s23  }
0x8: {  	s4 =	sadd.s32 $0x800, s0;
	s3 =	sadd.s32 $0x32800, s0;
	s6 =	sadd.s32 $0x34200, s0  }
0x9: {  	s26 =	sshll.u32 s5, $0x6;
	s23 =	simm.s32 $0x16A80;
	s5 =	simm.s32 $0xD480  }
0xa: {  	_ =	strace $0x80000047;
	[dreg:$0x3] =	wrdreg s3;
	s24 =	ssub.s32 $0x2, s2  }
0xb: {  	v0 =	vlaneseq.u32;
	s2 =	sshll.u32 s2, $0x5;
	s3 =	simm.s32 $0x1;
	s25 =	sshrl.u32 s24, $0x1  }
0xc: {  	v2 =	vand.u32 $0x7, v0;
	s7 =	sor.u32 s2, s26;
	s26 =	simm.s32 $0xD390;
	s0 =	ssub.s32 s24, s25  }
0xd: {  	v1 =	vmul.u32 $0xC8, v2;
	v2 =	vmul.u32 $0x186A0, v2;
	s2 =	simm.s32 $0x4;
	s24 =	simm.s32 $0xD340;
	s0 =	smax.u32 s0, $0x1  }
0xe: {  	s25 =	simm.s32 $0x17480;
	[dreg:$0x4] =	wrdreg s0;
	s0 =	simm.s32 $0x19280  }
.LBB2_1:
0xf: {  	[dreg:$0x5] =	wrdreg s17  }
0x10: {  	s15 =	simm.s32 $0x0;
	s16 =	rddreg [dreg:$0x3]  }
0x11: {  	[tilespmem:s15], [sflag:$0x9] =	stream.linear.gather [hbm4b:s16+s15], $0xC800, $0x38;
	[tilespmem:$0x19C80] =	vst v63  }
0x12: {  	_ =	swait.ge [sflag:s9], $0xC800  }
0x13: {  	[sflag:s9] =	ssyncset.done $0x0  }
0x14: {  	s15 =	simm.s32 $0x0;
	[sflag:s9] =	ssyncadd.s32 $0xFFFF3800  }
.LBB2_2:
0x15: {  	s17 =	simm.s32 $0x0;
	s18 =	simm.s32 $0x10;
	s19 =	simm.s32 $0x30  }
0x16: {  	s22 =	simm.s32 $0x20;
	v3 =	vor.u32 s17, v0;
	v4 =	vor.u32 s18, v0;
	v5 =	vor.u32 s19, v0  }
0x17: {  	v6 =	vor.u32 s22, v0;
	v3 =	vshrl.u32 v3, $0x3;
	v4 =	vshrl.u32 v4, $0x3  }
0x18: {  	v5 =	vshrl.u32 v5, $0x3;
	v6 =	vshrl.u32 v6, $0x3;
	v7 =	vadd.s32 v1, v4  }
0x19: {  	v8 =	vadd.s32 v1, v5;
	v5 =	vand.u32 $0x7, v5;
	v9 =	vadd.s32 v1, v6  }
0x1a: {  	s16 =	sadd.s32 s7, s15;
	v10 =	vadd.s32 v1, v3;
	v4 =	vand.u32 $0x7, v4;
	v6 =	vand.u32 $0x7, v6  }
0x1b: {  	s21 =	smul.u32 $0xC8, s16;
	v3 =	vand.u32 $0x1, v3;
	v8 =	vand.u32 $0x3FFFFFF8, v8;
	v7 =	vand.u32 $0x3FFFFFF8, v7  }
0x1c: {  	s20 =	simm.s32 $0x70;
	s19 =	simm.s32 $0x40;
	v9 =	vand.u32 $0x3FFFFFF8, v9;
	v5 =	vor.u32 v5, v8;
	v8 =	vand.u32 $0x1FFFFFF8, v10  }
0x1d: {  	s22 =	simm.s32 $0x60;
	s18 =	sadd.s32 s4, s21;
	s21 =	simm.s32 $0x50;
	v4 =	vor.u32 v4, v7;
	v6 =	vor.u32 v6, v9;
	v7 =	vor.u32 s19, v0  }
0x1e: {  	[tilespmem:s10], [sflag:$0x9] =	stream.linear.gather [hbm4b:s18+s17], $0x640, $0x38;
	v9 =	vor.u32 s21, v0;
	v10 =	vor.u32 s22, v0;
	v3 =	vor.u32 v3, v8;
	[tilespmem:$0x19C80] =	vst v63  }
0x1f: {  	_ =	swait.ge [sflag:s9], $0x640;
	s21 =	simm.s32 $0xB0;
	v7 =	vshrl.u32 v7, $0x3;
	v8 =	vor.u32 s20, v0;
	v9 =	vshrl.u32 v9, $0x3  }
0x20: {  	[sflag:s9] =	ssyncset.done $0x0;
	v10 =	vshrl.u32 v10, $0x3;
	v60 =	vor.u32 s21, v0;
	v8 =	vshrl.u32 v8, $0x3  }
0x21: {  	[sflag:s9] =	ssyncadd.s32 $0xFFFFF9C0;
	v12 =	vadd.s32 v1, v9;
	v13 =	vadd.s32 v1, v10;
	v11 =	vadd.s32 v1, v8  }
0x22: {  	v14 =	vadd.s32 v1, v7;
	v8 =	vand.u32 $0x7, v8;
	v11 =	vand.u32 $0x3FFFFFF8, v11;
	v6 =	vld.idx.msk [tilespmem:v6+s10+$0x0], $0xffff  }
0x23: {  	v7 =	vand.u32 $0x1, v7;
	v9 =	vand.u32 $0x7, v9;
	v8 =	vor.u32 v8, v11  }
0x24: {  	v10 =	vand.u32 $0x7, v10;
	v12 =	vand.u32 $0x3FFFFFF8, v12;
	v13 =	vand.u32 $0x3FFFFFF8, v13;
	v5 =	vld.idx.msk [tilespmem:v5+s10+$0x0], $0xffff  }
0x25: {  	s19 =	simm.s32 $0x80;
	s22 =	simm.s32 $0xA0;
	v9 =	vor.u32 v9, v12;
	v10 =	vor.u32 v10, v13;
	v4 =	vld.idx.msk [tilespmem:v4+s10+$0x0], $0xffff;
	v11 =	vand.u32 $0x1FFFFFF8, v14  }
0x26: {  	s20 =	simm.s32 $0x90;
	v7 =	vor.u32 v7, v11;
	v11 =	vor.u32 s19, v0;
	v62 =	vld.idx.msk [tilespmem:v3+s10+$0x0], $0xffff;
	v3 =	vor.u32 s22, v0  }
0x27: {  	v11 =	vshrl.u32 v11, $0x3;
	v59 =	vadd.s32 v2, v6;
	v6 =	vor.u32 s20, v0  }
0x28: {  	v17 =	vshrl.u32 v3, $0x3;
	v8 =	vld.idx.msk [tilespmem:v8+s10+$0x0], $0xffff;
	v61 =	vshrl.u32 v6, $0x3;
	v6 =	vshrl.u32 v60, $0x3  }
0x29: {  	s17 =	simm.s32 $0xCE60;
	v63 =	vadd.s32 v1, v17;
	v5 =	vadd.s32 v2, v5;
	v16 =	vadd.s32 v1, v6  }
0x2a: {  	v9 =	vld.idx.msk [tilespmem:v9+s10+$0x0], $0xffff;
	v4 =	vadd.s32 v2, v4;
	[tilespmem:s17+$0x10] =	vst v5;
	v6 =	vand.u32 $0x7, v6;
	v3 =	vand.u32 $0x3FFFFFF8, v16  }
0x2b: {  	v5 =	vld.idx.msk [tilespmem:v10+s10+$0x0], $0xffff;
	v15 =	vadd.s32 v1, v61;
	v6 =	vor.u32 v6, v3;
	v3 =	vadd.s32 v1, v11  }
0x2c: {  	[tilespmem:s17+$0xFFFFFFF0] =	vst v4;
	v4 =	vand.u32 $0x1, v11;
	v15 =	vand.u32 $0x3FFFFFF8, v15;
	v18 =	vand.u32 $0x1FFFFFF8, v3;
	v3 =	vld.idx.msk [tilespmem:v7+s10+$0x0], $0xffff  }
0x2d: {  	v16 =	vand.u32 $0x3FFFFFF8, v63;
	v10 =	vadd.s32 v2, v8;
	v8 =	vand.u32 $0x7, v61  }
0x2e: {  	s18 =	simm.s32 $0xCEA0;
	[tilespmem:s17+$0x0] =	vst v59;
	v7 =	vand.u32 $0x7, v17;
	v4 =	vor.u32 v4, v18;
	v8 =	vor.u32 v8, v15  }
0x2f: {  	s19 =	simm.s32 $0x8;
	s20 =	simm.s32 $0xC0;
	[tilespmem:s18+$0x10] =	vst v10;
	v7 =	vor.u32 v7, v16;
	v10 =	vadd.s32 v2, v9;
	v9 =	vadd.s32 v2, v62  }
.LBB2_3:
0x30: {  	v11 =	vor.u32 s20, v0;
	s21 =	sadd.s32 $0x10, s20;
	s22 =	sadd.s32 $0x30, s20;
	s19 =	sadd.s32 $0x4, s19;
	v12 =	vld.idx.msk [tilespmem:v6+s10+$0x0], $0xffff;
	[tilespmem:s18+$0xFFFFFFF0] =	vst v10;
	v5 =	vadd.s32 v2, v5  }
0x31: {  	v13 =	vmovc v3;
	v10 =	vshrl.u32 v11, $0x3;
	v6 =	vor.u32 s21, v0;
	s21 =	sadd.s32 $0x20, s20;
	v11 =	vor.u32 s22, v0;
	p0 =	slt.u32 s19, $0x60;
	[tilespmem:s18+$0x0] =	vst v5  }
0x32: {  	v14 =	vshrl.u32 v6, $0x3;
	v3 =	vor.u32 s21, v0;
	v5 =	vshrl.u32 v11, $0x3;
	[tilespmem:s17+$0xFFFFFFE0] =	vst v9;
	s17 =	smov.u32 s18  }
0x33: {  	v6 =	vadd.s32 v1, v14;
	v9 =	vshrl.u32 v3, $0x3;
	v3 =	vadd.s32 v1, v5;
	v11 =	vld.idx.msk [tilespmem:v8+s10+$0x0], $0xffff  }
0x34: {  	v15 =	vand.u32 $0x7, v5;
	v8 =	vadd.s32 v1, v9;
	v3 =	vand.u32 $0x3FFFFFF8, v3;
	v5 =	vld.idx.msk [tilespmem:v7+s10+$0x0], $0xffff  }
.Ltmp0:
0x35: {  	v7 =	vadd.s32 v1, v10;
	v16 =	vand.u32 $0x3FFFFFF8, v6;
	v6 =	vor.u32 v15, v3;
	v3 =	vld.idx.msk [tilespmem:v4+s10+$0x0], $0xffff;
	(pc) =	sbr.rel @p0 .LBB2_3-.Ltmp0, $4  }
0x36: {  	s18 =	sadd.s32 $0x40, s18;
	v4 =	vand.u32 $0x1FFFFFF8, v7;
	v7 =	vand.u32 $0x3FFFFFF8, v8;
	v8 =	vadd.s32 v2, v12  }
0x37: {  	v10 =	vand.u32 $0x1, v10;
	v9 =	vand.u32 $0x7, v9;
	v12 =	vand.u32 $0x7, v14;
	[tilespmem:s18+$0x10] =	vst v8  }
0x38: {  	v4 =	vor.u32 v10, v4;
	v7 =	vor.u32 v9, v7;
	v8 =	vor.u32 v12, v16  }
0x39: {  	s20 =	sadd.s32 $0x40, s20;
	v9 =	vadd.s32 v2, v13;
	v10 =	vadd.s32 v2, v11  }
0x3a: {  	_ =	sdelay $0x3  }
0x3b: {  	v6 =	vld.idx.msk [tilespmem:v6+s10+$0x0], $0xffff  }
0x3c: {  	v4 =	vld.idx.msk [tilespmem:v4+s10+$0x0], $0xffff  }
0x3d: {  	v8 =	vld.idx.msk [tilespmem:v8+s10+$0x0], $0xffff;
	[tilespmem:s18+$0xFFFFFFF0] =	vst v10  }
0x3e: {  	v7 =	vld.idx.msk [tilespmem:v7+s10+$0x0], $0xffff;
	v5 =	vadd.s32 v2, v5;
	[tilespmem:s17+$0xFFFFFFE0] =	vst v9  }
0x3f: {  	v3 =	vadd.s32 v2, v3;
	[tilespmem:s18+$0x0] =	vst v5  }
0x40: {  	s19 =	sadd.s32 $0x40, s18;
	[tilespmem:s18+$0xFFFFFFE0] =	vst v3;
	v5 =	vadd.s32 v2, v6  }
0x41: {  	v3 =	vadd.s32 v2, v4;
	[tilespmem:s19+$0x10] =	vst v5  }
0x42: {  	v5 =	vadd.s32 v2, v8;
	[tilespmem:s19+$0xFFFFFFE0] =	vst v3  }
0x43: {  	p0 =	seq.s32 s15, $0x0;
	[tilespmem:s19+$0xFFFFFFF0] =	vst v5;
	v5 =	vadd.s32 v2, v7  }
0x44: {  	s17 =	simm.s32 @p0 $0x50;
	s18 =	simm.s32 @p0 $0xCE40;
	[tilespmem:s19+$0x0] =	vst v5;
	s19 =	simm.s32 @p0 $0xD480  }
0x45: {  	[tilespmem:s19], [sflag:$0x1] =	stream.indirect.gather @p0 [hbm4b:s1+s17], $0x20, s18, s17, $0xb8;
	[tilespmem:$0x19C80] =	vst v63  }
0x46: {  	s18 =	simm.s32 @p0 $0xCE90;
	s19 =	simm.s32 @p0 $0xDE80  }
0x47: {  	[tilespmem:s19], [sflag:$0x1] =	stream.indirect.gather @p0 [hbm4b:s1+s17], $0x20, s18, s17, $0xb8;
	[tilespmem:$0x19C80] =	vst v63  }
0x48: {  	s18 =	simm.s32 @p0 $0xCEE0;
	s19 =	simm.s32 @p0 $0xE880  }
0x49: {  	[tilespmem:s19], [sflag:$0x1] =	stream.indirect.gather @p0 [hbm4b:s1+s17], $0x20, s18, s17, $0xb8;
	[tilespmem:$0x19C80] =	vst v63  }
0x4a: {  	s18 =	simm.s32 @p0 $0xCF30;
	s19 =	simm.s32 @p0 $0xF280  }
0x4b: {  	[tilespmem:s19], [sflag:$0x1] =	stream.indirect.gather @p0 [hbm4b:s1+s17], $0x20, s18, s17, $0xb8;
	[tilespmem:$0x19C80] =	vst v63  }
0x4c: {  	s18 =	simm.s32 @p0 $0xCF80;
	s19 =	simm.s32 @p0 $0xFC80  }
0x4d: {  	[tilespmem:s19], [sflag:$0x1] =	stream.indirect.gather @p0 [hbm4b:s1+s17], $0x20, s18, s17, $0xb8;
	[tilespmem:$0x19C80] =	vst v63  }
0x4e: {  	s18 =	simm.s32 @!p0 $0x5  }
0x4f: {  	_ =	swait.ge @!p0 [sflag:s18], $0x3200  }
0x50: {  	s20 =	simm.s32 @!p0 $0xD480;
	[sflag:s18] =	ssyncset.done @!p0 $0x0  }
0x51: {  	s19 =	simm.s32 @!p0 $0xCE40;
	[sflag:s18] =	ssyncadd.s32 @!p0 $0xFFFFCE00;
	s18 =	simm.s32 @!p0 $0x50  }
0x52: {  	[tilespmem:s20], [sflag:$0x1] =	stream.indirect.gather @!p0 [hbm4b:s1+s18], $0x20, s19, s18, $0xb8;
	[tilespmem:$0x19C80] =	vst v63  }
0x53: {  	s19 =	simm.s32 @!p0 $0xCE90;
	s20 =	simm.s32 @!p0 $0xDE80  }
0x54: {  	[tilespmem:s20], [sflag:$0x1] =	stream.indirect.gather @!p0 [hbm4b:s1+s18], $0x20, s19, s18, $0xb8;
	[tilespmem:$0x19C80] =	vst v63  }
0x55: {  	s19 =	simm.s32 @!p0 $0xCEE0;
	s20 =	simm.s32 @!p0 $0xE880  }
0x56: {  	[tilespmem:s20], [sflag:$0x1] =	stream.indirect.gather @!p0 [hbm4b:s1+s18], $0x20, s19, s18, $0xb8;
	[tilespmem:$0x19C80] =	vst v63  }
0x57: {  	s19 =	simm.s32 @!p0 $0xCF30;
	s20 =	simm.s32 @!p0 $0xF280  }
0x58: {  	[tilespmem:s20], [sflag:$0x1] =	stream.indirect.gather @!p0 [hbm4b:s1+s18], $0x20, s19, s18, $0xb8;
	[tilespmem:$0x19C80] =	vst v63  }
0x59: {  	s19 =	simm.s32 @!p0 $0xCF80;
	s20 =	simm.s32 @!p0 $0xFC80  }
0x5a: {  	[tilespmem:s20], [sflag:$0x1] =	stream.indirect.gather @!p0 [hbm4b:s1+s18], $0x20, s19, s18, $0xb8;
	[tilespmem:$0x19C80] =	vst v63  }
0x5b: {  	s19 =	simm.s32 @!p0 $0x6  }
0x5c: {  	_ =	swait.ge @!p0 [sflag:s19], $0x3200  }
0x5d: {  	[sflag:s19] =	ssyncset.done @!p0 $0x0  }
0x5e: {  	s20 =	simm.s32 $0xCFD0;
	[sflag:s19] =	ssyncadd.s32 @!p0 $0xFFFFCE00  }
0x5f: {  	[tilespmem:s13], [sflag:$0x2] =	stream.indirect.gather [hbm4b:s1+s11], $0x20, s20, s11, $0xb8;
	[tilespmem:$0x19C80] =	vst v63  }
0x60: {  	s21 =	simm.s32 $0xD020;
	s22 =	simm.s32 $0x11080  }
0x61: {  	[tilespmem:s22], [sflag:$0x2] =	stream.indirect.gather [hbm4b:s1+s11], $0x20, s21, s11, $0xb8;
	[tilespmem:$0x19C80] =	vst v63  }
0x62: {  	s21 =	simm.s32 $0xD070;
	s22 =	simm.s32 $0x11A80  }
0x63: {  	[tilespmem:s22], [sflag:$0x2] =	stream.indirect.gather [hbm4b:s1+s11], $0x20, s21, s11, $0xb8;
	[tilespmem:$0x19C80] =	vst v63  }
0x64: {  	s21 =	simm.s32 $0xD0C0;
	s22 =	simm.s32 $0x12480  }
0x65: {  	[tilespmem:s22], [sflag:$0x2] =	stream.indirect.gather [hbm4b:s1+s11], $0x20, s21, s11, $0xb8;
	[tilespmem:$0x19C80] =	vst v63  }
0x66: {  	s20 =	simm.s32 $0xD110;
	s21 =	simm.s32 $0x12E80  }
0x67: {  	[tilespmem:s21], [sflag:$0x2] =	stream.indirect.gather [hbm4b:s1+s11], $0x20, s20, s11, $0xb8;
	[tilespmem:$0x19C80] =	vst v63  }
0x68: {  	s19 =	simm.s32 @p0 $0xD160;
	s20 =	simm.s32 @p0 $0x13880  }
0x69: {  	[tilespmem:s20], [sflag:$0x3] =	stream.indirect.gather @p0 [hbm4b:s1+s17], $0x20, s19, s17, $0xb8;
	[tilespmem:$0x19C80] =	vst v63  }
0x6a: {  	s19 =	simm.s32 @p0 $0xD1B0;
	s20 =	simm.s32 @p0 $0x14280  }
0x6b: {  	[tilespmem:s20], [sflag:$0x3] =	stream.indirect.gather @p0 [hbm4b:s1+s17], $0x20, s19, s17, $0xb8;
	[tilespmem:$0x19C80] =	vst v63  }
0x6c: {  	s19 =	simm.s32 @p0 $0xD200;
	s20 =	simm.s32 @p0 $0x14C80  }
0x6d: {  	[tilespmem:s20], [sflag:$0x3] =	stream.indirect.gather @p0 [hbm4b:s1+s17], $0x20, s19, s17, $0xb8;
	[tilespmem:$0x19C80] =	vst v63  }
0x6e: {  	s19 =	simm.s32 @p0 $0xD250;
	s20 =	simm.s32 @p0 $0x15680  }
0x6f: {  	[tilespmem:s20], [sflag:$0x3] =	stream.indirect.gather @p0 [hbm4b:s1+s17], $0x20, s19, s17, $0xb8;
	[tilespmem:$0x19C80] =	vst v63  }
0x70: {  	s19 =	simm.s32 @p0 $0xD2A0;
	s20 =	simm.s32 @p0 $0x16080  }
0x71: {  	[tilespmem:s20], [sflag:$0x3] =	stream.indirect.gather @p0 [hbm4b:s1+s17], $0x20, s19, s17, $0xb8;
	[tilespmem:$0x19C80] =	vst v63  }
0x72: {  	s17 =	simm.s32 @!p0 $0x7  }
0x73: {  	_ =	swait.ge @!p0 [sflag:s17], $0x3200  }
0x74: {  	[sflag:s17] =	ssyncset.done @!p0 $0x0  }
0x75: {  	s19 =	simm.s32 @!p0 $0x13880;
	[sflag:s17] =	ssyncadd.s32 @!p0 $0xFFFFCE00;
	s17 =	simm.s32 @!p0 $0xD160  }
0x76: {  	[tilespmem:s19], [sflag:$0x3] =	stream.indirect.gather @!p0 [hbm4b:s1+s18], $0x20, s17, s18, $0xb8;
	[tilespmem:$0x19C80] =	vst v63  }
0x77: {  	s17 =	simm.s32 @!p0 $0xD1B0;
	s19 =	simm.s32 @!p0 $0x14280  }
0x78: {  	[tilespmem:s19], [sflag:$0x3] =	stream.indirect.gather @!p0 [hbm4b:s1+s18], $0x20, s17, s18, $0xb8;
	[tilespmem:$0x19C80] =	vst v63  }
0x79: {  	s17 =	simm.s32 @!p0 $0xD200;
	s19 =	simm.s32 @!p0 $0x14C80  }
0x7a: {  	[tilespmem:s19], [sflag:$0x3] =	stream.indirect.gather @!p0 [hbm4b:s1+s18], $0x20, s17, s18, $0xb8;
	[tilespmem:$0x19C80] =	vst v63  }
0x7b: {  	s17 =	simm.s32 @!p0 $0xD250;
	s19 =	simm.s32 @!p0 $0x15680  }
0x7c: {  	[tilespmem:s19], [sflag:$0x3] =	stream.indirect.gather @!p0 [hbm4b:s1+s18], $0x20, s17, s18, $0xb8;
	[tilespmem:$0x19C80] =	vst v63  }
0x7d: {  	s17 =	simm.s32 @!p0 $0xD2A0;
	s19 =	simm.s32 @!p0 $0x16080  }
0x7e: {  	[tilespmem:s19], [sflag:$0x3] =	stream.indirect.gather @!p0 [hbm4b:s1+s18], $0x20, s17, s18, $0xb8;
	[tilespmem:$0x19C80] =	vst v63  }
0x7f: {  	s17 =	simm.s32 @!p0 $0x8  }
0x80: {  	_ =	swait.ge @!p0 [sflag:s17], $0x3200  }
0x81: {  	[sflag:s17] =	ssyncset.done @!p0 $0x0  }
0x82: {  	s22 =	simm.s32 $0xD2F0;
	[sflag:s17] =	ssyncadd.s32 @!p0 $0xFFFFCE00  }
0x83: {  	[tilespmem:s23], [sflag:$0x4] =	stream.indirect.gather [hbm4b:s1+s11], $0x20, s22, s11, $0xb8;
	[tilespmem:$0x19C80] =	vst v63  }
0x84: {  	_ = 	snop  }
0x85: {  	[tilespmem:s25], [sflag:$0x4] =	stream.indirect.gather [hbm4b:s1+s11], $0x20, s24, s11, $0xb8;
	[tilespmem:$0x19C80] =	vst v63  }
0x86: {  	_ = 	snop  }
0x87: {  	[tilespmem:s28], [sflag:$0x4] =	stream.indirect.gather [hbm4b:s1+s11], $0x20, s26, s11, $0xb8;
	[tilespmem:$0x19C80] =	vst v63  }
0x88: {  	_ = 	snop  }
0x89: {  	[tilespmem:s30], [sflag:$0x4] =	stream.indirect.gather [hbm4b:s1+s11], $0x20, s29, s11, $0xb8;
	[tilespmem:$0x19C80] =	vst v63  }
0x8a: {  	_ = 	snop  }
0x8b: {  	[tilespmem:s0], [sflag:$0x4] =	stream.indirect.gather [hbm4b:s1+s11], $0x20, s31, s11, $0xb8;
	[tilespmem:$0x19C80] =	vst v63  }
0x8c: {  	_ =	swait.ge [sflag:s3], $0xA00  }
0x8d: {  	[sflag:s3] =	ssyncset.done $0x0  }
0x8e: {  	[sflag:s3] =	ssyncadd.s32 $0xFFFFF600  }
0x8f: {  	_ =	swait.ge [sflag:s3], $0xA00  }
0x90: {  	[sflag:s3] =	ssyncset.done $0x0  }
0x91: {  	[sflag:s3] =	ssyncadd.s32 $0xFFFFF600  }
0x92: {  	_ =	swait.ge [sflag:s3], $0xA00  }
0x93: {  	[sflag:s3] =	ssyncset.done $0x0  }
0x94: {  	[sflag:s3] =	ssyncadd.s32 $0xFFFFF600  }
0x95: {  	_ =	swait.ge [sflag:s3], $0xA00  }
0x96: {  	[sflag:s3] =	ssyncset.done $0x0  }
0x97: {  	[sflag:s3] =	ssyncadd.s32 $0xFFFFF600  }
0x98: {  	_ =	swait.ge [sflag:s3], $0xA00  }
0x99: {  	[sflag:s3] =	ssyncset.done $0x0  }
0x9a: {  	s17 =	simm.s32 $0x0;
	[sflag:s3] =	ssyncadd.s32 $0xFFFFF600  }
0x9b: {  	v3 =	vld [tilespmem:s17+$0x70]  }
0x9c: {  	v4 =	vld [tilespmem:s17+$0x0]  }
0x9d: {  	v5 =	vld [tilespmem:s17+$0x10]  }
0x9e: {  	v60 =	vld [tilespmem:s17+$0x20]  }
0x9f: {  	v61 =	vld [tilespmem:s17+$0x30]  }
0xa0: {  	v62 =	vld [tilespmem:s17+$0x40]  }
0xa1: {  	v63 =	vld [tilespmem:s17+$0x50]  }
0xa2: {  	[tilespmem:s17+$0xD4F0] =	vst.add.f32.msk $0xffff, v3  }
0xa3: {  	v3 =	vld [tilespmem:s17+$0x60]  }
0xa4: {  	[tilespmem:s17+$0xD480] =	vst.add.f32.msk $0xffff, v4  }
0xa5: {  	[tilespmem:s17+$0xD490] =	vst.add.f32.msk $0xffff, v5  }
0xa6: {  	[tilespmem:s17+$0xD4A0] =	vst.add.f32.msk $0xffff, v60  }
0xa7: {  	[tilespmem:s17+$0xD4B0] =	vst.add.f32.msk $0xffff, v61  }
0xa8: {  	[tilespmem:s17+$0xD4C0] =	vst.add.f32.msk $0xffff, v62  }
0xa9: {  	s18 =	simm.s32 $0x0;
	s19 =	simm.s32 $0x200;
	[tilespmem:s17+$0xD4D0] =	vst.add.f32.msk $0xffff, v63  }
.LBB2_5:
0xaa: {  	s18 =	sadd.s32 $0x4, s18;
	[tilespmem:s17+$0xD4E0] =	vst.add.f32.msk $0xffff, v3;
	s17 =	sshra.s32 s19, $0x2  }
0xab: {  	v3 =	vld [tilespmem:s17+$0x70];
	p0 =	slt.u32 s18, $0x18C  }
0xac: {  	v4 =	vld [tilespmem:s17+$0x0]  }
0xad: {  	v5 =	vld [tilespmem:s17+$0x10]  }
0xae: {  	v6 =	vld [tilespmem:s17+$0x20]  }
0xaf: {  	v7 =	vld [tilespmem:s17+$0x30]  }
0xb0: {  	[tilespmem:s17+$0xD4F0] =	vst.add.f32.msk $0xffff, v3  }
0xb1: {  	v8 =	vld [tilespmem:s17+$0x40]  }
0xb2: {  	v9 =	vld [tilespmem:s17+$0x50]  }
0xb3: {  	v3 =	vld [tilespmem:s17+$0x60]  }
0xb4: {  	[tilespmem:s17+$0xD480] =	vst.add.f32.msk $0xffff, v4  }
.Ltmp1:
0xb5: {  	[tilespmem:s17+$0xD490] =	vst.add.f32.msk $0xffff, v5;
	(pc) =	sbr.rel @p0 .LBB2_5-.Ltmp1, $4  }
0xb6: {  	[tilespmem:s17+$0xD4A0] =	vst.add.f32.msk $0xffff, v6  }
0xb7: {  	[tilespmem:s17+$0xD4B0] =	vst.add.f32.msk $0xffff, v7  }
0xb8: {  	[tilespmem:s17+$0xD4C0] =	vst.add.f32.msk $0xffff, v8  }
0xb9: {  	s19 =	sadd.s32 $0x200, s19;
	[tilespmem:s17+$0xD4D0] =	vst.add.f32.msk $0xffff, v9  }
0xba: {  	s18 =	smul.u32 $0x1900, s16;
	_ =	sdelay $0x1  }
0xbb: {  	[tilespmem:s17+$0xD4E0] =	vst.add.f32.msk $0xffff, v3;
	s22 =	simm.s32 $0x0;
	s21 =	sadd.s32 s6, s18  }
0xbc: {  	[hbm4b:s21+s22] =	stream.linear.scatter [tilespmem:s5], [sflag:$0x5], $0x3200, $0x38;
	[tilespmem:$0x19C80] =	vst v63  }
0xbd: {  	_ =	swait.ge [sflag:s8], $0xA00  }
0xbe: {  	[sflag:s8] =	ssyncset.done $0x0  }
0xbf: {  	[sflag:s8] =	ssyncadd.s32 $0xFFFFF600  }
0xc0: {  	_ =	swait.ge [sflag:s8], $0xA00  }
0xc1: {  	[sflag:s8] =	ssyncset.done $0x0  }
0xc2: {  	[sflag:s8] =	ssyncadd.s32 $0xFFFFF600  }
0xc3: {  	_ =	swait.ge [sflag:s8], $0xA00  }
0xc4: {  	[sflag:s8] =	ssyncset.done $0x0  }
0xc5: {  	[sflag:s8] =	ssyncadd.s32 $0xFFFFF600  }
0xc6: {  	_ =	swait.ge [sflag:s8], $0xA00  }
0xc7: {  	[sflag:s8] =	ssyncset.done $0x0  }
0xc8: {  	[sflag:s8] =	ssyncadd.s32 $0xFFFFF600  }
0xc9: {  	_ =	swait.ge [sflag:s8], $0xA00  }
0xca: {  	[sflag:s8] =	ssyncset.done $0x0  }
0xcb: {  	s17 =	simm.s32 $0x0;
	[sflag:s8] =	ssyncadd.s32 $0xFFFFF600  }
0xcc: {  	v3 =	vld [tilespmem:s17+$0x3270]  }
0xcd: {  	v4 =	vld [tilespmem:s17+$0x3200]  }
0xce: {  	v5 =	vld [tilespmem:s17+$0x3210]  }
0xcf: {  	v6 =	vld [tilespmem:s17+$0x3220]  }
0xd0: {  	v7 =	vld [tilespmem:s17+$0x3230]  }
0xd1: {  	v8 =	vld [tilespmem:s17+$0x3240]  }
0xd2: {  	v9 =	vld [tilespmem:s17+$0x3250]  }
0xd3: {  	[tilespmem:s17+$0x106F0] =	vst.add.f32.msk $0xffff, v3  }
0xd4: {  	v3 =	vld [tilespmem:s17+$0x3260]  }
0xd5: {  	[tilespmem:s17+$0x10680] =	vst.add.f32.msk $0xffff, v4  }
0xd6: {  	[tilespmem:s17+$0x10690] =	vst.add.f32.msk $0xffff, v5  }
0xd7: {  	[tilespmem:s17+$0x106A0] =	vst.add.f32.msk $0xffff, v6  }
0xd8: {  	[tilespmem:s17+$0x106B0] =	vst.add.f32.msk $0xffff, v7  }
0xd9: {  	[tilespmem:s17+$0x106C0] =	vst.add.f32.msk $0xffff, v8  }
0xda: {  	s19 =	simm.s32 $0x200;
	s18 =	simm.s32 $0x0;
	[tilespmem:s17+$0x106D0] =	vst.add.f32.msk $0xffff, v9  }
.LBB2_7:
0xdb: {  	s18 =	sadd.s32 $0x4, s18;
	[tilespmem:s17+$0x106E0] =	vst.add.f32.msk $0xffff, v3;
	s17 =	sshra.s32 s19, $0x2  }
0xdc: {  	v3 =	vld [tilespmem:s17+$0x3270];
	p0 =	slt.u32 s18, $0x18C  }
0xdd: {  	v4 =	vld [tilespmem:s17+$0x3200]  }
0xde: {  	v5 =	vld [tilespmem:s17+$0x3210]  }
0xdf: {  	v6 =	vld [tilespmem:s17+$0x3220]  }
0xe0: {  	v7 =	vld [tilespmem:s17+$0x3230]  }
0xe1: {  	[tilespmem:s17+$0x106F0] =	vst.add.f32.msk $0xffff, v3  }
0xe2: {  	v8 =	vld [tilespmem:s17+$0x3240]  }
0xe3: {  	v9 =	vld [tilespmem:s17+$0x3250]  }
0xe4: {  	v3 =	vld [tilespmem:s17+$0x3260]  }
0xe5: {  	[tilespmem:s17+$0x10680] =	vst.add.f32.msk $0xffff, v4  }
.Ltmp2:
0xe6: {  	[tilespmem:s17+$0x10690] =	vst.add.f32.msk $0xffff, v5;
	(pc) =	sbr.rel @p0 .LBB2_7-.Ltmp2, $4  }
0xe7: {  	[tilespmem:s17+$0x106A0] =	vst.add.f32.msk $0xffff, v6  }
0xe8: {  	[tilespmem:s17+$0x106B0] =	vst.add.f32.msk $0xffff, v7  }
0xe9: {  	[tilespmem:s17+$0x106C0] =	vst.add.f32.msk $0xffff, v8  }
0xea: {  	s19 =	sadd.s32 $0x200, s19;
	[tilespmem:s17+$0x106D0] =	vst.add.f32.msk $0xffff, v9  }
0xeb: {  	s16 =	smul.u32 $0xC800, s16;
	_ =	sdelay $0x1  }
0xec: {  	s16 =	sshrl.u32 s16, $0x3  }
0xed: {  	s16 =	sadd.s32 s6, s16  }
0xee: {  	[tilespmem:s17+$0x106E0] =	vst.add.f32.msk $0xffff, v3;
	s18 =	simm.s32 $0x0;
	s22 =	sadd.s32 $0x640, s16  }
0xef: {  	[hbm4b:s22+s18] =	stream.linear.scatter [tilespmem:s13], [sflag:$0x6], $0x3200, $0x38;
	[tilespmem:$0x19C80] =	vst v63  }
0xf0: {  	_ =	swait.ge [sflag:s12], $0xA00  }
0xf1: {  	[sflag:s12] =	ssyncset.done $0x0  }
0xf2: {  	[sflag:s12] =	ssyncadd.s32 $0xFFFFF600  }
0xf3: {  	_ =	swait.ge [sflag:s12], $0xA00  }
0xf4: {  	[sflag:s12] =	ssyncset.done $0x0  }
0xf5: {  	[sflag:s12] =	ssyncadd.s32 $0xFFFFF600  }
0xf6: {  	_ =	swait.ge [sflag:s12], $0xA00  }
0xf7: {  	[sflag:s12] =	ssyncset.done $0x0  }
0xf8: {  	[sflag:s12] =	ssyncadd.s32 $0xFFFFF600  }
0xf9: {  	_ =	swait.ge [sflag:s12], $0xA00  }
0xfa: {  	[sflag:s12] =	ssyncset.done $0x0  }
0xfb: {  	[sflag:s12] =	ssyncadd.s32 $0xFFFFF600  }
0xfc: {  	_ =	swait.ge [sflag:s12], $0xA00  }
0xfd: {  	[sflag:s12] =	ssyncset.done $0x0  }
0xfe: {  	s17 =	simm.s32 $0x0;
	[sflag:s12] =	ssyncadd.s32 $0xFFFFF600  }
0xff: {  	v3 =	vld [tilespmem:s17+$0x6470]  }
0x100: {  	v4 =	vld [tilespmem:s17+$0x6400]  }
0x101: {  	v5 =	vld [tilespmem:s17+$0x6410]  }
0x102: {  	v6 =	vld [tilespmem:s17+$0x6420]  }
0x103: {  	v7 =	vld [tilespmem:s17+$0x6430]  }
0x104: {  	v8 =	vld [tilespmem:s17+$0x6440]  }
0x105: {  	v9 =	vld [tilespmem:s17+$0x6450]  }
0x106: {  	[tilespmem:s17+$0x138F0] =	vst.add.f32.msk $0xffff, v3  }
0x107: {  	v3 =	vld [tilespmem:s17+$0x6460]  }
0x108: {  	[tilespmem:s17+$0x13880] =	vst.add.f32.msk $0xffff, v4  }
0x109: {  	[tilespmem:s17+$0x13890] =	vst.add.f32.msk $0xffff, v5  }
0x10a: {  	[tilespmem:s17+$0x138A0] =	vst.add.f32.msk $0xffff, v6  }
0x10b: {  	[tilespmem:s17+$0x138B0] =	vst.add.f32.msk $0xffff, v7  }
0x10c: {  	[tilespmem:s17+$0x138C0] =	vst.add.f32.msk $0xffff, v8  }
0x10d: {  	s19 =	simm.s32 $0x200;
	s18 =	simm.s32 $0x0;
	[tilespmem:s17+$0x138D0] =	vst.add.f32.msk $0xffff, v9  }
.LBB2_9:
0x10e: {  	s18 =	sadd.s32 $0x4, s18;
	[tilespmem:s17+$0x138E0] =	vst.add.f32.msk $0xffff, v3;
	s17 =	sshra.s32 s19, $0x2  }
0x10f: {  	v3 =	vld [tilespmem:s17+$0x6470];
	p0 =	slt.u32 s18, $0x18C  }
0x110: {  	v4 =	vld [tilespmem:s17+$0x6400]  }
0x111: {  	v5 =	vld [tilespmem:s17+$0x6410]  }
0x112: {  	v6 =	vld [tilespmem:s17+$0x6420]  }
0x113: {  	v7 =	vld [tilespmem:s17+$0x6430]  }
0x114: {  	[tilespmem:s17+$0x138F0] =	vst.add.f32.msk $0xffff, v3  }
0x115: {  	v8 =	vld [tilespmem:s17+$0x6440]  }
0x116: {  	v9 =	vld [tilespmem:s17+$0x6450]  }
0x117: {  	v3 =	vld [tilespmem:s17+$0x6460]  }
0x118: {  	[tilespmem:s17+$0x13880] =	vst.add.f32.msk $0xffff, v4  }
.Ltmp3:
0x119: {  	[tilespmem:s17+$0x13890] =	vst.add.f32.msk $0xffff, v5;
	(pc) =	sbr.rel @p0 .LBB2_9-.Ltmp3, $4  }
0x11a: {  	[tilespmem:s17+$0x138A0] =	vst.add.f32.msk $0xffff, v6  }
0x11b: {  	[tilespmem:s17+$0x138B0] =	vst.add.f32.msk $0xffff, v7  }
0x11c: {  	[tilespmem:s17+$0x138C0] =	vst.add.f32.msk $0xffff, v8  }
0x11d: {  	s19 =	sadd.s32 $0x200, s19;
	[tilespmem:s17+$0x138D0] =	vst.add.f32.msk $0xffff, v9  }
0x11e: {  	[tilespmem:s17+$0x138E0] =	vst.add.f32.msk $0xffff, v3;
	s22 =	sadd.s32 $0xC80, s16;
	s18 =	simm.s32 $0x0  }
0x11f: {  	[hbm4b:s22+s18] =	stream.linear.scatter [tilespmem:s14], [sflag:$0x7], $0x3200, $0x38;
	[tilespmem:$0x19C80] =	vst v63  }
0x120: {  	_ =	swait.ge [sflag:s2], $0xA00  }
0x121: {  	[sflag:s2] =	ssyncset.done $0x0  }
0x122: {  	[sflag:s2] =	ssyncadd.s32 $0xFFFFF600  }
0x123: {  	_ =	swait.ge [sflag:s2], $0xA00  }
0x124: {  	[sflag:s2] =	ssyncset.done $0x0  }
0x125: {  	[sflag:s2] =	ssyncadd.s32 $0xFFFFF600  }
0x126: {  	_ =	swait.ge [sflag:s2], $0xA00  }
0x127: {  	[sflag:s2] =	ssyncset.done $0x0  }
0x128: {  	[sflag:s2] =	ssyncadd.s32 $0xFFFFF600  }
0x129: {  	_ =	swait.ge [sflag:s2], $0xA00  }
0x12a: {  	[sflag:s2] =	ssyncset.done $0x0  }
0x12b: {  	[sflag:s2] =	ssyncadd.s32 $0xFFFFF600  }
0x12c: {  	_ =	swait.ge [sflag:s2], $0xA00  }
0x12d: {  	[sflag:s2] =	ssyncset.done $0x0  }
0x12e: {  	s17 =	simm.s32 $0x0;
	[sflag:s2] =	ssyncadd.s32 $0xFFFFF600  }
0x12f: {  	v3 =	vld [tilespmem:s17+$0x9670]  }
0x130: {  	v4 =	vld [tilespmem:s17+$0x9600]  }
0x131: {  	v5 =	vld [tilespmem:s17+$0x9610]  }
0x132: {  	v6 =	vld [tilespmem:s17+$0x9620]  }
0x133: {  	v7 =	vld [tilespmem:s17+$0x9630]  }
0x134: {  	v8 =	vld [tilespmem:s17+$0x9640]  }
0x135: {  	v9 =	vld [tilespmem:s17+$0x9650]  }
0x136: {  	[tilespmem:s17+$0x16AF0] =	vst.add.f32.msk $0xffff, v3  }
0x137: {  	v3 =	vld [tilespmem:s17+$0x9660]  }
0x138: {  	[tilespmem:s17+$0x16A80] =	vst.add.f32.msk $0xffff, v4  }
0x139: {  	[tilespmem:s17+$0x16A90] =	vst.add.f32.msk $0xffff, v5  }
0x13a: {  	[tilespmem:s17+$0x16AA0] =	vst.add.f32.msk $0xffff, v6  }
0x13b: {  	[tilespmem:s17+$0x16AB0] =	vst.add.f32.msk $0xffff, v7  }
0x13c: {  	[tilespmem:s17+$0x16AC0] =	vst.add.f32.msk $0xffff, v8  }
0x13d: {  	s19 =	simm.s32 $0x200;
	s18 =	simm.s32 $0x0;
	[tilespmem:s17+$0x16AD0] =	vst.add.f32.msk $0xffff, v9  }
.LBB2_11:
0x13e: {  	s18 =	sadd.s32 $0x4, s18;
	[tilespmem:s17+$0x16AE0] =	vst.add.f32.msk $0xffff, v3;
	s17 =	sshra.s32 s19, $0x2  }
0x13f: {  	v3 =	vld [tilespmem:s17+$0x9670];
	p0 =	slt.u32 s18, $0x18C  }
0x140: {  	v4 =	vld [tilespmem:s17+$0x9600]  }
0x141: {  	v5 =	vld [tilespmem:s17+$0x9610]  }
0x142: {  	v6 =	vld [tilespmem:s17+$0x9620]  }
0x143: {  	v7 =	vld [tilespmem:s17+$0x9630]  }
0x144: {  	[tilespmem:s17+$0x16AF0] =	vst.add.f32.msk $0xffff, v3  }
0x145: {  	v8 =	vld [tilespmem:s17+$0x9640]  }
0x146: {  	v9 =	vld [tilespmem:s17+$0x9650]  }
0x147: {  	v3 =	vld [tilespmem:s17+$0x9660]  }
0x148: {  	[tilespmem:s17+$0x16A80] =	vst.add.f32.msk $0xffff, v4  }
.Ltmp4:
0x149: {  	[tilespmem:s17+$0x16A90] =	vst.add.f32.msk $0xffff, v5;
	(pc) =	sbr.rel @p0 .LBB2_11-.Ltmp4, $4  }
0x14a: {  	[tilespmem:s17+$0x16AA0] =	vst.add.f32.msk $0xffff, v6  }
0x14b: {  	[tilespmem:s17+$0x16AB0] =	vst.add.f32.msk $0xffff, v7  }
0x14c: {  	[tilespmem:s17+$0x16AC0] =	vst.add.f32.msk $0xffff, v8  }
0x14d: {  	s19 =	sadd.s32 $0x200, s19;
	[tilespmem:s17+$0x16AD0] =	vst.add.f32.msk $0xffff, v9  }
0x14e: {  	s15 =	sadd.s32 $0x1, s15  }
0x14f: {  	p0 =	sne.s32 s15, $0x20  }
.Ltmp5:
0x150: {  	_ = 	snop;
	(pc) =	sbr.rel @p0 .LBB2_2-.Ltmp5, $3  }
0x151: {  	_ =	sdelay $0x1  }
0x152: {  	[tilespmem:s17+$0x16AE0] =	vst.add.f32.msk $0xffff, v3;
	s16 =	sadd.s32 $0x12C0, s16;
	s22 =	simm.s32 $0x0  }
0x153: {  	[hbm4b:s16+s22] =	stream.linear.scatter [tilespmem:s23], [sflag:$0x8], $0x3200, $0x38;
	[tilespmem:$0x19C80] =	vst v63  }
0x154: {  	s15 =	simm.s32 $0x5  }
0x155: {  	_ =	swait.ge [sflag:s15], $0x3200  }
0x156: {  	[sflag:s15] =	ssyncset.done $0x0  }
0x157: {  	s20 =	simm.s32 $0x6;
	[sflag:s15] =	ssyncadd.s32 $0xFFFFCE00  }
0x158: {  	_ =	swait.ge [sflag:s20], $0x3200  }
0x159: {  	[sflag:s20] =	ssyncset.done $0x0  }
0x15a: {  	s21 =	simm.s32 $0x7;
	[sflag:s20] =	ssyncadd.s32 $0xFFFFCE00  }
0x15b: {  	_ =	swait.ge [sflag:s21], $0x3200  }
0x15c: {  	[sflag:s21] =	ssyncset.done $0x0  }
0x15d: {  	s16 =	simm.s32 $0x8;
	[sflag:s21] =	ssyncadd.s32 $0xFFFFCE00  }
0x15e: {  	_ =	swait.ge [sflag:s16], $0x3200  }
0x15f: {  	s17 =	rddreg [dreg:$0x5]  }
0x160: {  	s22 =	rddreg [dreg:$0x4];
	s17 =	sadd.s32 $0x1, s17  }
0x161: {  	p0 =	sne.s32 s17, s22  }
.Ltmp6:
0x162: {  	_ = 	snop;
	(pc) =	sbr.rel @p0 .LBB2_1-.Ltmp6, $3  }
0x163: {  	_ =	sdelay $0x1  }
0x164: {  	[sflag:s16] =	ssyncset.done $0x0  }
0x165: {  	[sflag:s16] =	ssyncadd.s32 $0xFFFFCE00  }
0x166: {  	_ =	sfence.sel $0x180000  }
0x167: {  	[bflag:$0x0] =	sbarrier.arrive $0xFFFF  }
0x168: {  	_ =	strace $0x90000047  }
0x169: {  	s0 =	stileid.u32;
	[bflag:$0x2] =	sbarrier.arrive $0xFFFF  }
0x16a: {  	p0 =	sne.s32 s0, $0x0;
	s0 =	rddreg [dreg:$0x2]  }
0x16b: {  	s0 =	sadd.s32 @!p0 $0x100000, s0  }
0x16c: {  	[sflag:s0] =	ssyncadd.tile.s32 @!p0 $0x1;
	_ =	shalt  }
.Lfunc_end2:
_tile_overlayer_lowered:
.L_overlay_start_2:
0x16d: {  	(tag) =	ssettag $0x2  }
0x16e: {  	s0 =	rddreg [dreg:$0x0];
	s2 =	stileid.u32  }
0x16f: {  	s1 =	rddreg [dreg:$0x1];
	p0 =	sne.s32 s2, $0x0  }
0x170: {  	s3 =	rddreg [dreg:$0x2];
	[bflag:$0x3] =	sbarrier.arrive $0xFFFF;
	s2 =	simm.s32 @!p0 $0x1C09  }
0x171: {  	[timem:s3], [sflag:s2] =	dma.local @!p0 [hbm:s0], s1  }
0x172: {  	s0 =	simm.s32 @!p0 $0x9  }
0x173: {  	_ =	swait.ge @!p0 [sflag:s0], s1  }
0x174: {  	s1 =	ssub.s32 @!p0 $0x0, s1;
	[sflag:s0] =	ssyncset.done @!p0 $0x0  }
0x175: {  	[sflag:s0] =	ssyncadd.s32 @!p0 s1  }
0x176: {  	[bflag:$0x3] =	sbarrier.arrive $0xFFFF  }
0x177: {  	_ =	shalt  }

</sc_bundles>
